<compile_context>
chip_gen: v7x
topology: tpu7x:2x2x1
jax: 0.10.2.dev20260603
libtpu: 0.0.44.dev20260713+nightly
codegen_flags: <defaults>
</compile_context>

<pallas_src>
import functools
import jax
import jax.numpy as jnp
from jax import lax
from jax.experimental import pallas as pl
from jax.experimental.pallas import tpu as pltpu
from jax.experimental.pallas import tpu_sc as plsc

_NC = 2
_NS = 16
_NW = _NC * _NS
_D = 64
_SCALE = 8.0
_IDXROW = 128
_NBUF = 4


def _make_kernel(B):
    bpw = B // _NW
    nchunk = bpw // _IDXROW

    mesh = plsc.VectorSubcoreMesh(
        core_axis_name="c", subcore_axis_name="s",
        num_cores=_NC, num_subcores=_NS)

    @functools.partial(
        pl.kernel,
        out_type=jax.ShapeDtypeStruct((B, _D), jnp.float32),
        mesh=mesh,
        scratch_types=[
            pltpu.VMEM((nchunk, _IDXROW), jnp.int32),
            [pltpu.VMEM((_IDXROW, _D), jnp.float32)] * _NBUF,
            [pltpu.SemaphoreType.DMA] * _NBUF,
            [pltpu.SemaphoreType.DMA] * _NBUF,
        ],
        compiler_params=pltpu.CompilerParams(use_tc_tiling_on_sc=False),
    )
    def emb(idx_hbm, table_hbm, out_hbm, idx_v, bufs, gsems, osems):
        wid = lax.axis_index("s") * _NC + lax.axis_index("c")
        base = wid * bpw
        pltpu.sync_copy(idx_hbm.at[wid], idx_v)

        def fire_gather(j, b):
            pltpu.async_copy(table_hbm.at[idx_v.at[j]], bufs[b], gsems[b])

        def wait_gather(j, b):
            pltpu.make_async_copy(
                table_hbm.at[idx_v.at[j]], bufs[b], gsems[b]).wait()

        def out_slice(j):
            return out_hbm.at[pl.ds(base + j * _IDXROW, _IDXROW)]

        for b in range(_NBUF - 1):
            fire_gather(b, b)

        @pl.loop(0, nchunk, step=_NBUF)
        def step(c):
            for db in range(_NBUF):
                j = c + db
                slot = db
                pb = (db + _NBUF - 1) % _NBUF
                wait_gather(j, slot)

                @pl.loop(0, _IDXROW)
                def scale_loop(r):
                    for u in range(_D // 16):
                        s = pl.ds(u * 16, 16)
                        bufs[slot][r, s] = bufs[slot][r, s] * _SCALE

                pltpu.async_copy(bufs[slot], out_slice(j), osems[slot])

                @pl.when(j + _NBUF - 1 < nchunk)
                def _():
                    @pl.when(j >= 1)
                    def _():
                        pltpu.make_async_copy(
                            bufs[pb], out_slice(j - 1), osems[pb]).wait()
                    fire_gather(j + _NBUF - 1, pb)

        for j in range(nchunk - _NBUF, nchunk):
            slot = j % _NBUF
            pltpu.make_async_copy(bufs[slot], out_slice(j), osems[slot]).wait()

    return emb


def kernel(batch_inputs, weight):
    bsz, seq = batch_inputs.shape
    B = bsz * seq
    idx = batch_inputs.astype(jnp.int32).reshape(_NW, B // (_NW * _IDXROW), _IDXROW)
    out = _make_kernel(B)(idx, weight)
    return out.reshape(bsz, seq, _D)

# --- scband reference (transcript-rebuilt; emitter-appended) ---
"""Pipeline reference for scband-embeddings-5334349381880 (READ-ONLY COPY).

The authoritative reference and input builder live on the scoring server;
editing this copy changes nothing except your own understanding.
"""

import jax, jax.numpy as jnp
import numpy as np
import math

VOCAB = 1000000
EMB = 64

def setup_inputs(seed: int = 0) -> dict:
    key = jax.random.key(seed)
    k_idx, k_w = jax.random.split(key)
    batch_inputs = jax.random.randint(k_idx, (4096, 200), 0, VOCAB, dtype=jnp.int64 if jax.config.jax_enable_x64 else jnp.int32)
    weight = jax.random.normal(k_w, (VOCAB, EMB), dtype=jnp.float32)
    return {"batch_inputs": batch_inputs, "weight": weight}

def reference(batch_inputs, weight):
    # Embedding lookup scaled by sqrt(embedding_size)
    out = jnp.take(weight, batch_inputs, axis=0) * math.sqrt(EMB)
    return out

if __name__ == "__main__":
    import jax
    _d = setup_inputs()
    print(jax.jit(kernel)(*tuple(_d.values())))

</pallas_src>

<mosaic_0001>
#map = affine_map<(d0, d1) -> (0, 0, 0)>
#map1 = affine_map<(d0, d1) -> (0, 0)>
module attributes {stable_mosaic.version = 14 : i64} {
  func.func @emb(%arg0: i32, %arg1: i32, %arg2: memref<32x200x128xi32, #tpu.memory_space<hbm>>, %arg3: memref<1000000x64xf32, #tpu.memory_space<hbm>>, %arg4: memref<819200x64xf32, #tpu.memory_space<hbm>>, %arg5: memref<200x128xi32, #tpu.memory_space<vmem>>, %arg6: memref<128x64xf32, #tpu.memory_space<vmem>>, %arg7: memref<128x64xf32, #tpu.memory_space<vmem>>, %arg8: memref<128x64xf32, #tpu.memory_space<vmem>>, %arg9: memref<128x64xf32, #tpu.memory_space<vmem>>, %arg10: memref<!tpu.dma_semaphore, #tpu.memory_space<semaphore_mem>>, %arg11: memref<!tpu.dma_semaphore, #tpu.memory_space<semaphore_mem>>, %arg12: memref<!tpu.dma_semaphore, #tpu.memory_space<semaphore_mem>>, %arg13: memref<!tpu.dma_semaphore, #tpu.memory_space<semaphore_mem>>, %arg14: memref<!tpu.dma_semaphore, #tpu.memory_space<semaphore_mem>>, %arg15: memref<!tpu.dma_semaphore, #tpu.memory_space<semaphore_mem>>, %arg16: memref<!tpu.dma_semaphore, #tpu.memory_space<semaphore_mem>>, %arg17: memref<!tpu.dma_semaphore, #tpu.memory_space<semaphore_mem>>) attributes {dimension_semantics = [#tpu.dimension_semantics<core_parallel>, #tpu.dimension_semantics<subcore_parallel>], iteration_bounds = array<i64: 2, 16>, scalar_prefetch = 0 : i64, scratch_operands = 13 : i64, tpu.core_type = #tpu.core_type<sc_vector_subcore>, window_params = [{transform_indices = #map}, {transform_indices = #map1}, {transform_indices = #map1}]} {
    %mul3A = arith.constant 2 : i32
    %mul3A_0 = arith.muli %arg1, %mul3A : i32
    %add3A = arith.addi %mul3A_0, %arg0 : i32
    %mul3A_1 = arith.constant 25600 : i32
    %mul3A_2 = arith.muli %add3A, %mul3A_1 : i32
    "tpu.region"() ({
      %run_scoped3A = tpu.sem_alloc : memref<!tpu.dma_semaphore, #tpu.memory_space<semaphore_mem>>
      %dma_start3A_50 = arith.constant 0 : i32
      %dma_start3A_51 = arith.constant 0 : i32
      %dma_start3A_52 = tpu.memref_slice %arg2[%add3A, %dma_start3A_50, %dma_start3A_51] : memref<32x200x128xi32, #tpu.memory_space<hbm>> -> memref<1x200x128xi32, #tpu.memory_space<hbm>>
      %dma_start3A_53 = tpu.memref_squeeze %dma_start3A_52 : memref<1x200x128xi32, #tpu.memory_space<hbm>> -> memref<200x128xi32, #tpu.memory_space<hbm>>
      %dma_start3A_54 = arith.constant 0 : i32
      %dma_start3A_55 = arith.constant 0 : i32
      %dma_start3A_56 = tpu.memref_slice %arg2[%add3A, %dma_start3A_54, %dma_start3A_55] : memref<32x200x128xi32, #tpu.memory_space<hbm>> -> memref<1x200x128xi32, #tpu.memory_space<hbm>>
      %dma_start3A_57 = tpu.memref_squeeze %dma_start3A_56 : memref<1x200x128xi32, #tpu.memory_space<hbm>> -> memref<200x128xi32, #tpu.memory_space<hbm>>
      tpu.enqueue_dma source(%dma_start3A_57 : memref<200x128xi32, #tpu.memory_space<hbm>>) target(%arg5 : memref<200x128xi32, #tpu.memory_space<vmem>>) target_semaphore(%run_scoped3A : memref<!tpu.dma_semaphore, #tpu.memory_space<semaphore_mem>>)
      %dma_wait3A_58 = arith.constant 0 : i32
      %dma_wait3A_59 = arith.constant 0 : i32
      %dma_wait3A_60 = tpu.memref_slice %arg2[%add3A, %dma_wait3A_58, %dma_wait3A_59] : memref<32x200x128xi32, #tpu.memory_space<hbm>> -> memref<1x200x128xi32, #tpu.memory_space<hbm>>
      %dma_wait3A_61 = tpu.memref_squeeze %dma_wait3A_60 : memref<1x200x128xi32, #tpu.memory_space<hbm>> -> memref<200x128xi32, #tpu.memory_space<hbm>>
      %dma_wait3A_62 = arith.constant 0 : i32
      %dma_wait3A_63 = arith.constant 0 : i32
      %dma_wait3A_64 = tpu.memref_slice %arg2[%add3A, %dma_wait3A_62, %dma_wait3A_63] : memref<32x200x128xi32, #tpu.memory_space<hbm>> -> memref<1x200x128xi32, #tpu.memory_space<hbm>>
      %dma_wait3A_65 = tpu.memref_squeeze %dma_wait3A_64 : memref<1x200x128xi32, #tpu.memory_space<hbm>> -> memref<200x128xi32, #tpu.memory_space<hbm>>
      tpu.wait_dma2 semaphore(%run_scoped3A : memref<!tpu.dma_semaphore, #tpu.memory_space<semaphore_mem>>) src(%dma_wait3A_65 : memref<200x128xi32, #tpu.memory_space<hbm>>) dst(%arg5 : memref<200x128xi32, #tpu.memory_space<vmem>>)
      tpu.yield
    }) : () -> ()
    %dma_start3A = arith.constant 0 : i32
    %dma_start3A_3 = arith.constant 0 : i32
    %dma_start3A_4 = tpu.memref_slice %arg5[%dma_start3A, %dma_start3A_3] : memref<200x128xi32, #tpu.memory_space<vmem>> -> memref<1x128xi32, #tpu.memory_space<vmem>>
    %dma_start3A_5 = tpu.memref_squeeze %dma_start3A_4 : memref<1x128xi32, #tpu.memory_space<vmem>> -> memref<128xi32, #tpu.memory_space<vmem>>
    %dma_start3A_6 = arith.constant 0 : i32
    %dma_start3A_7 = arith.constant 0 : i32
    %dma_start3A_8 = tpu.memref_slice %arg3[%dma_start3A_6, %dma_start3A_7] : memref<1000000x64xf32, #tpu.memory_space<hbm>> -> memref<1000000x64xf32, #tpu.memory_space<hbm>>
    tpu.enqueue_indirect_dma source(%dma_start3A_8 : memref<1000000x64xf32, #tpu.memory_space<hbm>>) target(%arg6 : memref<128x64xf32, #tpu.memory_space<vmem>>) offsets(%dma_start3A_5 : memref<128xi32, #tpu.memory_space<vmem>>) semaphore(%arg10 : memref<!tpu.dma_semaphore, #tpu.memory_space<semaphore_mem>>)
    %dma_start3A_9 = arith.constant 1 : i32
    %dma_start3A_10 = arith.constant 0 : i32
    %dma_start3A_11 = tpu.memref_slice %arg5[%dma_start3A_9, %dma_start3A_10] : memref<200x128xi32, #tpu.memory_space<vmem>> -> memref<1x128xi32, #tpu.memory_space<vmem>>
    %dma_start3A_12 = tpu.memref_squeeze %dma_start3A_11 : memref<1x128xi32, #tpu.memory_space<vmem>> -> memref<128xi32, #tpu.memory_space<vmem>>
    %dma_start3A_13 = arith.constant 0 : i32
    %dma_start3A_14 = arith.constant 0 : i32
    %dma_start3A_15 = tpu.memref_slice %arg3[%dma_start3A_13, %dma_start3A_14] : memref<1000000x64xf32, #tpu.memory_space<hbm>> -> memref<1000000x64xf32, #tpu.memory_space<hbm>>
    tpu.enqueue_indirect_dma source(%dma_start3A_15 : memref<1000000x64xf32, #tpu.memory_space<hbm>>) target(%arg7 : memref<128x64xf32, #tpu.memory_space<vmem>>) offsets(%dma_start3A_12 : memref<128xi32, #tpu.memory_space<vmem>>) semaphore(%arg11 : memref<!tpu.dma_semaphore, #tpu.memory_space<semaphore_mem>>)
    %dma_start3A_16 = arith.constant 2 : i32
    %dma_start3A_17 = arith.constant 0 : i32
    %dma_start3A_18 = tpu.memref_slice %arg5[%dma_start3A_16, %dma_start3A_17] : memref<200x128xi32, #tpu.memory_space<vmem>> -> memref<1x128xi32, #tpu.memory_space<vmem>>
    %dma_start3A_19 = tpu.memref_squeeze %dma_start3A_18 : memref<1x128xi32, #tpu.memory_space<vmem>> -> memref<128xi32, #tpu.memory_space<vmem>>
    %dma_start3A_20 = arith.constant 0 : i32
    %dma_start3A_21 = arith.constant 0 : i32
    %dma_start3A_22 = tpu.memref_slice %arg3[%dma_start3A_20, %dma_start3A_21] : memref<1000000x64xf32, #tpu.memory_space<hbm>> -> memref<1000000x64xf32, #tpu.memory_space<hbm>>
    tpu.enqueue_indirect_dma source(%dma_start3A_22 : memref<1000000x64xf32, #tpu.memory_space<hbm>>) target(%arg8 : memref<128x64xf32, #tpu.memory_space<vmem>>) offsets(%dma_start3A_19 : memref<128xi32, #tpu.memory_space<vmem>>) semaphore(%arg12 : memref<!tpu.dma_semaphore, #tpu.memory_space<semaphore_mem>>)
    %scan3A = arith.constant 0 : i32
    %scan3A_23 = arith.constant 50 : i32
    %scan3A_24 = arith.addi %scan3A, %scan3A_23 : i32
    %scan3A_25 = arith.constant 1 : i32
    scf.for %scan3A_50 = %scan3A to %scan3A_24 step %scan3A_25  : i32 {
      %mul3A_51 = arith.constant 4 : i32
      %mul3A_52 = arith.muli %scan3A_50, %mul3A_51 : i32
      %add3A_53 = arith.constant 0 : i32
      %add3A_54 = arith.addi %add3A_53, %mul3A_52 : i32
      %add3A_55 = arith.constant 0 : i32
      %add3A_56 = arith.addi %add3A_54, %add3A_55 : i32
      %dma_wait3A_57 = arith.constant 0 : i32
      %dma_wait3A_58 = tpu.memref_slice %arg5[%add3A_56, %dma_wait3A_57] : memref<200x128xi32, #tpu.memory_space<vmem>> -> memref<1x128xi32, #tpu.memory_space<vmem>>
      %dma_wait3A_59 = tpu.memref_squeeze %dma_wait3A_58 : memref<1x128xi32, #tpu.memory_space<vmem>> -> memref<128xi32, #tpu.memory_space<vmem>>
      %dma_wait3A_60 = arith.constant 0 : i32
      %dma_wait3A_61 = arith.constant 0 : i32
      %dma_wait3A_62 = tpu.memref_slice %arg3[%dma_wait3A_60, %dma_wait3A_61] : memref<1000000x64xf32, #tpu.memory_space<hbm>> -> memref<1000000x64xf32, #tpu.memory_space<hbm>>
      tpu.wait_indirect_dma semaphore(%arg10 : memref<!tpu.dma_semaphore, #tpu.memory_space<semaphore_mem>>) src(%dma_wait3A_62 : memref<1000000x64xf32, #tpu.memory_space<hbm>>) dst(%arg6 : memref<128x64xf32, #tpu.memory_space<vmem>>)
      %scan3A_63 = arith.constant 0 : i32
      %scan3A_64 = arith.constant 128 : i32
      %scan3A_65 = arith.addi %scan3A_63, %scan3A_64 : i32
      %scan3A_66 = arith.constant 1 : i32
      scf.for %scan3A_167 = %scan3A_63 to %scan3A_65 step %scan3A_66  : i32 {
        %mul3A_168 = arith.constant 1 : i32
        %mul3A_169 = arith.muli %scan3A_167, %mul3A_168 : i32
        %add3A_170 = arith.constant 0 : i32
        %add3A_171 = arith.addi %add3A_170, %mul3A_169 : i32
        %get3A = arith.index_cast %add3A_171 : i32 to index
        %get3A_172 = arith.constant 0 : index
        %get3A_173 = tpu.vector_load %arg6[%get3A, %get3A_172] {strides = array<i32>} : memref<128x64xf32, #tpu.memory_space<vmem>>, vector<1x16xf32>,
        %get3A_174 = vector.shape_cast %get3A_173 : vector<1x16xf32> to vector<16xf32>
        %mul3A_175 = arith.constant 8.000000e+00 : f32
        %mul3A_176 = vector.broadcast %mul3A_175 : f32 to vector<16xf32>
        %mul3A_177 = arith.mulf %get3A_174, %mul3A_176 : vector<16xf32>
        %swap3A = arith.index_cast %add3A_171 : i32 to index
        %swap3A_178 = arith.constant 0 : index
        %swap3A_179 = tpu.vector_load %arg6[%swap3A, %swap3A_178] {strides = array<i32>} : memref<128x64xf32, #tpu.memory_space<vmem>>, vector<1x16xf32>,
        %swap3A_180 = vector.shape_cast %swap3A_179 : vector<1x16xf32> to vector<16xf32>
        %swap3A_181 = vector.shape_cast %mul3A_177 : vector<16xf32> to vector<1x16xf32>
        tpu.vector_store %arg6[%swap3A, %swap3A_178], %swap3A_181 {strides = array<i32>} : memref<128x64xf32, #tpu.memory_space<vmem>>, vector<1x16xf32>,
        %get3A_182 = arith.index_cast %add3A_171 : i32 to index
        %get3A_183 = arith.constant 16 : index
        %get3A_184 = tpu.vector_load %arg6[%get3A_182, %get3A_183] {strides = array<i32>} : memref<128x64xf32, #tpu.memory_space<vmem>>, vector<1x16xf32>,
        %get3A_185 = vector.shape_cast %get3A_184 : vector<1x16xf32> to vector<16xf32>
        %mul3A_186 = arith.constant 8.000000e+00 : f32
        %mul3A_187 = vector.broadcast %mul3A_186 : f32 to vector<16xf32>
        %mul3A_188 = arith.mulf %get3A_185, %mul3A_187 : vector<16xf32>
        %swap3A_189 = arith.index_cast %add3A_171 : i32 to index
        %swap3A_190 = arith.constant 16 : index
        %swap3A_191 = tpu.vector_load %arg6[%swap3A_189, %swap3A_190] {strides = array<i32>} : memref<128x64xf32, #tpu.memory_space<vmem>>, vector<1x16xf32>,
        %swap3A_192 = vector.shape_cast %swap3A_191 : vector<1x16xf32> to vector<16xf32>
        %swap3A_193 = vector.shape_cast %mul3A_188 : vector<16xf32> to vector<1x16xf32>
        tpu.vector_store %arg6[%swap3A_189, %swap3A_190], %swap3A_193 {strides = array<i32>} : memref<128x64xf32, #tpu.memory_space<vmem>>, vector<1x16xf32>,
        %get3A_194 = arith.index_cast %add3A_171 : i32 to index
        %get3A_195 = arith.constant 32 : index
        %get3A_196 = tpu.vector_load %arg6[%get3A_194, %get3A_195] {strides = array<i32>} : memref<128x64xf32, #tpu.memory_space<vmem>>, vector<1x16xf32>,
        %get3A_197 = vector.shape_cast %get3A_196 : vector<1x16xf32> to vector<16xf32>
        %mul3A_198 = arith.constant 8.000000e+00 : f32
        %mul3A_199 = vector.broadcast %mul3A_198 : f32 to vector<16xf32>
        %mul3A_200 = arith.mulf %get3A_197, %mul3A_199 : vector<16xf32>
        %swap3A_201 = arith.index_cast %add3A_171 : i32 to index
        %swap3A_202 = arith.constant 32 : index
        %swap3A_203 = tpu.vector_load %arg6[%swap3A_201, %swap3A_202] {strides = array<i32>} : memref<128x64xf32, #tpu.memory_space<vmem>>, vector<1x16xf32>,
        %swap3A_204 = vector.shape_cast %swap3A_203 : vector<1x16xf32> to vector<16xf32>
        %swap3A_205 = vector.shape_cast %mul3A_200 : vector<16xf32> to vector<1x16xf32>
        tpu.vector_store %arg6[%swap3A_201, %swap3A_202], %swap3A_205 {strides = array<i32>} : memref<128x64xf32, #tpu.memory_space<vmem>>, vector<1x16xf32>,
        %get3A_206 = arith.index_cast %add3A_171 : i32 to index
        %get3A_207 = arith.constant 48 : index
        %get3A_208 = tpu.vector_load %arg6[%get3A_206, %get3A_207] {strides = array<i32>} : memref<128x64xf32, #tpu.memory_space<vmem>>, vector<1x16xf32>,
        %get3A_209 = vector.shape_cast %get3A_208 : vector<1x16xf32> to vector<16xf32>
        %mul3A_210 = arith.constant 8.000000e+00 : f32
        %mul3A_211 = vector.broadcast %mul3A_210 : f32 to vector<16xf32>
        %mul3A_212 = arith.mulf %get3A_209, %mul3A_211 : vector<16xf32>
        %swap3A_213 = arith.index_cast %add3A_171 : i32 to index
        %swap3A_214 = arith.constant 48 : index
        %swap3A_215 = tpu.vector_load %arg6[%swap3A_213, %swap3A_214] {strides = array<i32>} : memref<128x64xf32, #tpu.memory_space<vmem>>, vector<1x16xf32>,
        %swap3A_216 = vector.shape_cast %swap3A_215 : vector<1x16xf32> to vector<16xf32>
        %swap3A_217 = vector.shape_cast %mul3A_212 : vector<16xf32> to vector<1x16xf32>
        tpu.vector_store %arg6[%swap3A_213, %swap3A_214], %swap3A_217 {strides = array<i32>} : memref<128x64xf32, #tpu.memory_space<vmem>>, vector<1x16xf32>,
      }
      %scan3A_67 = arith.constant 128 : i32
      %mul3A_68 = arith.constant 128 : i32
      %mul3A_69 = arith.muli %add3A_56, %mul3A_68 : i32
      %add3A_70 = arith.addi %mul3A_2, %mul3A_69 : i32
      %dma_start3A_71 = arith.constant 0 : i32
      %dma_start3A_72 = tpu.memref_slice %arg4[%add3A_70, %dma_start3A_71] : memref<819200x64xf32, #tpu.memory_space<hbm>> -> memref<128x64xf32, #tpu.memory_space<hbm>>
      %dma_start3A_73 = arith.constant 0 : i32
      %dma_start3A_74 = tpu.memref_slice %arg4[%add3A_70, %dma_start3A_73] : memref<819200x64xf32, #tpu.memory_space<hbm>> -> memref<128x64xf32, #tpu.memory_space<hbm>>
      tpu.enqueue_dma source(%arg6 : memref<128x64xf32, #tpu.memory_space<vmem>>) target(%dma_start3A_74 : memref<128x64xf32, #tpu.memory_space<hbm>>) target_semaphore(%arg14 : memref<!tpu.dma_semaphore, #tpu.memory_space<semaphore_mem>>)
      %add3A_75 = arith.constant 4 : i32
      %add3A_76 = arith.addi %add3A_56, %add3A_75 : i32
      %sub3A = arith.constant 1 : i32
      %sub3A_77 = arith.subi %add3A_76, %sub3A : i32
      %lt3A = arith.constant 200 : i32
      %lt3A_78 = arith.cmpi slt, %sub3A_77, %lt3A : i32
      %convert_element_type3A = arith.extui %lt3A_78 : i1 to i32
      %cond3A = arith.constant 0 : i32
      %cond3A_79 = arith.cmpi ne, %convert_element_type3A, %cond3A : i32
      scf.if %cond3A_79 {
        %ge3A = arith.constant 1 : i32
        %ge3A_167 = arith.cmpi sge, %add3A_56, %ge3A : i32
        %convert_element_type3A_168 = arith.extui %ge3A_167 : i1 to i32
        %cond3A_169 = arith.constant 0 : i32
        %cond3A_170 = arith.cmpi ne, %convert_element_type3A_168, %cond3A_169 : i32
        scf.if %cond3A_170 {
          %sub3A_181 = arith.constant 1 : i32
          %sub3A_182 = arith.subi %add3A_56, %sub3A_181 : i32
          %mul3A_183 = arith.constant 128 : i32
          %mul3A_184 = arith.muli %sub3A_182, %mul3A_183 : i32
          %add3A_185 = arith.addi %mul3A_2, %mul3A_184 : i32
          %dma_wait3A_186 = arith.constant 0 : i32
          %dma_wait3A_187 = tpu.memref_slice %arg4[%add3A_185, %dma_wait3A_186] : memref<819200x64xf32, #tpu.memory_space<hbm>> -> memref<128x64xf32, #tpu.memory_space<hbm>>
          %dma_wait3A_188 = arith.constant 0 : i32
          %dma_wait3A_189 = tpu.memref_slice %arg4[%add3A_185, %dma_wait3A_188] : memref<819200x64xf32, #tpu.memory_space<hbm>> -> memref<128x64xf32, #tpu.memory_space<hbm>>
          tpu.wait_dma2 semaphore(%arg17 : memref<!tpu.dma_semaphore, #tpu.memory_space<semaphore_mem>>) src(%arg9 : memref<128x64xf32, #tpu.memory_space<vmem>>) dst(%dma_wait3A_189 : memref<128x64xf32, #tpu.memory_space<hbm>>)
        } else {
        }
        %add3A_171 = arith.constant 4 : i32
        %add3A_172 = arith.addi %add3A_56, %add3A_171 : i32
        %sub3A_173 = arith.constant 1 : i32
        %sub3A_174 = arith.subi %add3A_172, %sub3A_173 : i32
        %dma_start3A_175 = arith.constant 0 : i32
        %dma_start3A_176 = tpu.memref_slice %arg5[%sub3A_174, %dma_start3A_175] : memref<200x128xi32, #tpu.memory_space<vmem>> -> memref<1x128xi32, #tpu.memory_space<vmem>>
        %dma_start3A_177 = tpu.memref_squeeze %dma_start3A_176 : memref<1x128xi32, #tpu.memory_space<vmem>> -> memref<128xi32, #tpu.memory_space<vmem>>
        %dma_start3A_178 = arith.constant 0 : i32
        %dma_start3A_179 = arith.constant 0 : i32
        %dma_start3A_180 = tpu.memref_slice %arg3[%dma_start3A_178, %dma_start3A_179] : memref<1000000x64xf32, #tpu.memory_space<hbm>> -> memref<1000000x64xf32, #tpu.memory_space<hbm>>
        tpu.enqueue_indirect_dma source(%dma_start3A_180 : memref<1000000x64xf32, #tpu.memory_space<hbm>>) target(%arg9 : memref<128x64xf32, #tpu.memory_space<vmem>>) offsets(%dma_start3A_177 : memref<128xi32, #tpu.memory_space<vmem>>) semaphore(%arg13 : memref<!tpu.dma_semaphore, #tpu.memory_space<semaphore_mem>>)
      } else {
      }
      %add3A_80 = arith.constant 1 : i32
      %add3A_81 = arith.addi %add3A_54, %add3A_80 : i32
      %dma_wait3A_82 = arith.constant 0 : i32
      %dma_wait3A_83 = tpu.memref_slice %arg5[%add3A_81, %dma_wait3A_82] : memref<200x128xi32, #tpu.memory_space<vmem>> -> memref<1x128xi32, #tpu.memory_space<vmem>>
      %dma_wait3A_84 = tpu.memref_squeeze %dma_wait3A_83 : memref<1x128xi32, #tpu.memory_space<vmem>> -> memref<128xi32, #tpu.memory_space<vmem>>
      %dma_wait3A_85 = arith.constant 0 : i32
      %dma_wait3A_86 = arith.constant 0 : i32
      %dma_wait3A_87 = tpu.memref_slice %arg3[%dma_wait3A_85, %dma_wait3A_86] : memref<1000000x64xf32, #tpu.memory_space<hbm>> -> memref<1000000x64xf32, #tpu.memory_space<hbm>>
      tpu.wait_indirect_dma semaphore(%arg11 : memref<!tpu.dma_semaphore, #tpu.memory_space<semaphore_mem>>) src(%dma_wait3A_87 : memref<1000000x64xf32, #tpu.memory_space<hbm>>) dst(%arg7 : memref<128x64xf32, #tpu.memory_space<vmem>>)
      %scan3A_88 = arith.constant 0 : i32
      %scan3A_89 = arith.constant 128 : i32
      %scan3A_90 = arith.addi %scan3A_88, %scan3A_89 : i32
      %scan3A_91 = arith.constant 1 : i32
      scf.for %scan3A_167 = %scan3A_88 to %scan3A_90 step %scan3A_91  : i32 {
        %mul3A_168 = arith.constant 1 : i32
        %mul3A_169 = arith.muli %scan3A_167, %mul3A_168 : i32
        %add3A_170 = arith.constant 0 : i32
        %add3A_171 = arith.addi %add3A_170, %mul3A_169 : i32
        %get3A = arith.index_cast %add3A_171 : i32 to index
        %get3A_172 = arith.constant 0 : index
        %get3A_173 = tpu.vector_load %arg7[%get3A, %get3A_172] {strides = array<i32>} : memref<128x64xf32, #tpu.memory_space<vmem>>, vector<1x16xf32>,
        %get3A_174 = vector.shape_cast %get3A_173 : vector<1x16xf32> to vector<16xf32>
        %mul3A_175 = arith.constant 8.000000e+00 : f32
        %mul3A_176 = vector.broadcast %mul3A_175 : f32 to vector<16xf32>
        %mul3A_177 = arith.mulf %get3A_174, %mul3A_176 : vector<16xf32>
        %swap3A = arith.index_cast %add3A_171 : i32 to index
        %swap3A_178 = arith.constant 0 : index
        %swap3A_179 = tpu.vector_load %arg7[%swap3A, %swap3A_178] {strides = array<i32>} : memref<128x64xf32, #tpu.memory_space<vmem>>, vector<1x16xf32>,
        %swap3A_180 = vector.shape_cast %swap3A_179 : vector<1x16xf32> to vector<16xf32>
        %swap3A_181 = vector.shape_cast %mul3A_177 : vector<16xf32> to vector<1x16xf32>
        tpu.vector_store %arg7[%swap3A, %swap3A_178], %swap3A_181 {strides = array<i32>} : memref<128x64xf32, #tpu.memory_space<vmem>>, vector<1x16xf32>,
        %get3A_182 = arith.index_cast %add3A_171 : i32 to index
        %get3A_183 = arith.constant 16 : index
        %get3A_184 = tpu.vector_load %arg7[%get3A_182, %get3A_183] {strides = array<i32>} : memref<128x64xf32, #tpu.memory_space<vmem>>, vector<1x16xf32>,
        %get3A_185 = vector.shape_cast %get3A_184 : vector<1x16xf32> to vector<16xf32>
        %mul3A_186 = arith.constant 8.000000e+00 : f32
        %mul3A_187 = vector.broadcast %mul3A_186 : f32 to vector<16xf32>
        %mul3A_188 = arith.mulf %get3A_185, %mul3A_187 : vector<16xf32>
        %swap3A_189 = arith.index_cast %add3A_171 : i32 to index
        %swap3A_190 = arith.constant 16 : index
        %swap3A_191 = tpu.vector_load %arg7[%swap3A_189, %swap3A_190] {strides = array<i32>} : memref<128x64xf32, #tpu.memory_space<vmem>>, vector<1x16xf32>,
        %swap3A_192 = vector.shape_cast %swap3A_191 : vector<1x16xf32> to vector<16xf32>
        %swap3A_193 = vector.shape_cast %mul3A_188 : vector<16xf32> to vector<1x16xf32>
        tpu.vector_store %arg7[%swap3A_189, %swap3A_190], %swap3A_193 {strides = array<i32>} : memref<128x64xf32, #tpu.memory_space<vmem>>, vector<1x16xf32>,
        %get3A_194 = arith.index_cast %add3A_171 : i32 to index
        %get3A_195 = arith.constant 32 : index
        %get3A_196 = tpu.vector_load %arg7[%get3A_194, %get3A_195] {strides = array<i32>} : memref<128x64xf32, #tpu.memory_space<vmem>>, vector<1x16xf32>,
        %get3A_197 = vector.shape_cast %get3A_196 : vector<1x16xf32> to vector<16xf32>
        %mul3A_198 = arith.constant 8.000000e+00 : f32
        %mul3A_199 = vector.broadcast %mul3A_198 : f32 to vector<16xf32>
        %mul3A_200 = arith.mulf %get3A_197, %mul3A_199 : vector<16xf32>
        %swap3A_201 = arith.index_cast %add3A_171 : i32 to index
        %swap3A_202 = arith.constant 32 : index
        %swap3A_203 = tpu.vector_load %arg7[%swap3A_201, %swap3A_202] {strides = array<i32>} : memref<128x64xf32, #tpu.memory_space<vmem>>, vector<1x16xf32>,
        %swap3A_204 = vector.shape_cast %swap3A_203 : vector<1x16xf32> to vector<16xf32>
        %swap3A_205 = vector.shape_cast %mul3A_200 : vector<16xf32> to vector<1x16xf32>
        tpu.vector_store %arg7[%swap3A_201, %swap3A_202], %swap3A_205 {strides = array<i32>} : memref<128x64xf32, #tpu.memory_space<vmem>>, vector<1x16xf32>,
        %get3A_206 = arith.index_cast %add3A_171 : i32 to index
        %get3A_207 = arith.constant 48 : index
        %get3A_208 = tpu.vector_load %arg7[%get3A_206, %get3A_207] {strides = array<i32>} : memref<128x64xf32, #tpu.memory_space<vmem>>, vector<1x16xf32>,
        %get3A_209 = vector.shape_cast %get3A_208 : vector<1x16xf32> to vector<16xf32>
        %mul3A_210 = arith.constant 8.000000e+00 : f32
        %mul3A_211 = vector.broadcast %mul3A_210 : f32 to vector<16xf32>
        %mul3A_212 = arith.mulf %get3A_209, %mul3A_211 : vector<16xf32>
        %swap3A_213 = arith.index_cast %add3A_171 : i32 to index
        %swap3A_214 = arith.constant 48 : index
        %swap3A_215 = tpu.vector_load %arg7[%swap3A_213, %swap3A_214] {strides = array<i32>} : memref<128x64xf32, #tpu.memory_space<vmem>>, vector<1x16xf32>,
        %swap3A_216 = vector.shape_cast %swap3A_215 : vector<1x16xf32> to vector<16xf32>
        %swap3A_217 = vector.shape_cast %mul3A_212 : vector<16xf32> to vector<1x16xf32>
        tpu.vector_store %arg7[%swap3A_213, %swap3A_214], %swap3A_217 {strides = array<i32>} : memref<128x64xf32, #tpu.memory_space<vmem>>, vector<1x16xf32>,
      }
      %scan3A_92 = arith.constant 128 : i32
      %mul3A_93 = arith.constant 128 : i32
      %mul3A_94 = arith.muli %add3A_81, %mul3A_93 : i32
      %add3A_95 = arith.addi %mul3A_2, %mul3A_94 : i32
      %dma_start3A_96 = arith.constant 0 : i32
      %dma_start3A_97 = tpu.memref_slice %arg4[%add3A_95, %dma_start3A_96] : memref<819200x64xf32, #tpu.memory_space<hbm>> -> memref<128x64xf32, #tpu.memory_space<hbm>>
      %dma_start3A_98 = arith.constant 0 : i32
      %dma_start3A_99 = tpu.memref_slice %arg4[%add3A_95, %dma_start3A_98] : memref<819200x64xf32, #tpu.memory_space<hbm>> -> memref<128x64xf32, #tpu.memory_space<hbm>>
      tpu.enqueue_dma source(%arg7 : memref<128x64xf32, #tpu.memory_space<vmem>>) target(%dma_start3A_99 : memref<128x64xf32, #tpu.memory_space<hbm>>) target_semaphore(%arg15 : memref<!tpu.dma_semaphore, #tpu.memory_space<semaphore_mem>>)
      %add3A_100 = arith.constant 4 : i32
      %add3A_101 = arith.addi %add3A_81, %add3A_100 : i32
      %sub3A_102 = arith.constant 1 : i32
      %sub3A_103 = arith.subi %add3A_101, %sub3A_102 : i32
      %lt3A_104 = arith.constant 200 : i32
      %lt3A_105 = arith.cmpi slt, %sub3A_103, %lt3A_104 : i32
      %convert_element_type3A_106 = arith.extui %lt3A_105 : i1 to i32
      %cond3A_107 = arith.constant 0 : i32
      %cond3A_108 = arith.cmpi ne, %convert_element_type3A_106, %cond3A_107 : i32
      scf.if %cond3A_108 {
        %ge3A = arith.constant 1 : i32
        %ge3A_167 = arith.cmpi sge, %add3A_81, %ge3A : i32
        %convert_element_type3A_168 = arith.extui %ge3A_167 : i1 to i32
        %cond3A_169 = arith.constant 0 : i32
        %cond3A_170 = arith.cmpi ne, %convert_element_type3A_168, %cond3A_169 : i32
        scf.if %cond3A_170 {
          %sub3A_181 = arith.constant 1 : i32
          %sub3A_182 = arith.subi %add3A_81, %sub3A_181 : i32
          %mul3A_183 = arith.constant 128 : i32
          %mul3A_184 = arith.muli %sub3A_182, %mul3A_183 : i32
          %add3A_185 = arith.addi %mul3A_2, %mul3A_184 : i32
          %dma_wait3A_186 = arith.constant 0 : i32
          %dma_wait3A_187 = tpu.memref_slice %arg4[%add3A_185, %dma_wait3A_186] : memref<819200x64xf32, #tpu.memory_space<hbm>> -> memref<128x64xf32, #tpu.memory_space<hbm>>
          %dma_wait3A_188 = arith.constant 0 : i32
          %dma_wait3A_189 = tpu.memref_slice %arg4[%add3A_185, %dma_wait3A_188] : memref<819200x64xf32, #tpu.memory_space<hbm>> -> memref<128x64xf32, #tpu.memory_space<hbm>>
          tpu.wait_dma2 semaphore(%arg14 : memref<!tpu.dma_semaphore, #tpu.memory_space<semaphore_mem>>) src(%arg6 : memref<128x64xf32, #tpu.memory_space<vmem>>) dst(%dma_wait3A_189 : memref<128x64xf32, #tpu.memory_space<hbm>>)
        } else {
        }
        %add3A_171 = arith.constant 4 : i32
        %add3A_172 = arith.addi %add3A_81, %add3A_171 : i32
        %sub3A_173 = arith.constant 1 : i32
        %sub3A_174 = arith.subi %add3A_172, %sub3A_173 : i32
        %dma_start3A_175 = arith.constant 0 : i32
        %dma_start3A_176 = tpu.memref_slice %arg5[%sub3A_174, %dma_start3A_175] : memref<200x128xi32, #tpu.memory_space<vmem>> -> memref<1x128xi32, #tpu.memory_space<vmem>>
        %dma_start3A_177 = tpu.memref_squeeze %dma_start3A_176 : memref<1x128xi32, #tpu.memory_space<vmem>> -> memref<128xi32, #tpu.memory_space<vmem>>
        %dma_start3A_178 = arith.constant 0 : i32
        %dma_start3A_179 = arith.constant 0 : i32
        %dma_start3A_180 = tpu.memref_slice %arg3[%dma_start3A_178, %dma_start3A_179] : memref<1000000x64xf32, #tpu.memory_space<hbm>> -> memref<1000000x64xf32, #tpu.memory_space<hbm>>
        tpu.enqueue_indirect_dma source(%dma_start3A_180 : memref<1000000x64xf32, #tpu.memory_space<hbm>>) target(%arg6 : memref<128x64xf32, #tpu.memory_space<vmem>>) offsets(%dma_start3A_177 : memref<128xi32, #tpu.memory_space<vmem>>) semaphore(%arg10 : memref<!tpu.dma_semaphore, #tpu.memory_space<semaphore_mem>>)
      } else {
      }
      %add3A_109 = arith.constant 2 : i32
      %add3A_110 = arith.addi %add3A_54, %add3A_109 : i32
      %dma_wait3A_111 = arith.constant 0 : i32
      %dma_wait3A_112 = tpu.memref_slice %arg5[%add3A_110, %dma_wait3A_111] : memref<200x128xi32, #tpu.memory_space<vmem>> -> memref<1x128xi32, #tpu.memory_space<vmem>>
      %dma_wait3A_113 = tpu.memref_squeeze %dma_wait3A_112 : memref<1x128xi32, #tpu.memory_space<vmem>> -> memref<128xi32, #tpu.memory_space<vmem>>
      %dma_wait3A_114 = arith.constant 0 : i32
      %dma_wait3A_115 = arith.constant 0 : i32
      %dma_wait3A_116 = tpu.memref_slice %arg3[%dma_wait3A_114, %dma_wait3A_115] : memref<1000000x64xf32, #tpu.memory_space<hbm>> -> memref<1000000x64xf32, #tpu.memory_space<hbm>>
      tpu.wait_indirect_dma semaphore(%arg12 : memref<!tpu.dma_semaphore, #tpu.memory_space<semaphore_mem>>) src(%dma_wait3A_116 : memref<1000000x64xf32, #tpu.memory_space<hbm>>) dst(%arg8 : memref<128x64xf32, #tpu.memory_space<vmem>>)
      %scan3A_117 = arith.constant 0 : i32
      %scan3A_118 = arith.constant 128 : i32
      %scan3A_119 = arith.addi %scan3A_117, %scan3A_118 : i32
      %scan3A_120 = arith.constant 1 : i32
      scf.for %scan3A_167 = %scan3A_117 to %scan3A_119 step %scan3A_120  : i32 {
        %mul3A_168 = arith.constant 1 : i32
        %mul3A_169 = arith.muli %scan3A_167, %mul3A_168 : i32
        %add3A_170 = arith.constant 0 : i32
        %add3A_171 = arith.addi %add3A_170, %mul3A_169 : i32
        %get3A = arith.index_cast %add3A_171 : i32 to index
        %get3A_172 = arith.constant 0 : index
        %get3A_173 = tpu.vector_load %arg8[%get3A, %get3A_172] {strides = array<i32>} : memref<128x64xf32, #tpu.memory_space<vmem>>, vector<1x16xf32>,
        %get3A_174 = vector.shape_cast %get3A_173 : vector<1x16xf32> to vector<16xf32>
        %mul3A_175 = arith.constant 8.000000e+00 : f32
        %mul3A_176 = vector.broadcast %mul3A_175 : f32 to vector<16xf32>
        %mul3A_177 = arith.mulf %get3A_174, %mul3A_176 : vector<16xf32>
        %swap3A = arith.index_cast %add3A_171 : i32 to index
        %swap3A_178 = arith.constant 0 : index
        %swap3A_179 = tpu.vector_load %arg8[%swap3A, %swap3A_178] {strides = array<i32>} : memref<128x64xf32, #tpu.memory_space<vmem>>, vector<1x16xf32>,
        %swap3A_180 = vector.shape_cast %swap3A_179 : vector<1x16xf32> to vector<16xf32>
        %swap3A_181 = vector.shape_cast %mul3A_177 : vector<16xf32> to vector<1x16xf32>
        tpu.vector_store %arg8[%swap3A, %swap3A_178], %swap3A_181 {strides = array<i32>} : memref<128x64xf32, #tpu.memory_space<vmem>>, vector<1x16xf32>,
        %get3A_182 = arith.index_cast %add3A_171 : i32 to index
        %get3A_183 = arith.constant 16 : index
        %get3A_184 = tpu.vector_load %arg8[%get3A_182, %get3A_183] {strides = array<i32>} : memref<128x64xf32, #tpu.memory_space<vmem>>, vector<1x16xf32>,
        %get3A_185 = vector.shape_cast %get3A_184 : vector<1x16xf32> to vector<16xf32>
        %mul3A_186 = arith.constant 8.000000e+00 : f32
        %mul3A_187 = vector.broadcast %mul3A_186 : f32 to vector<16xf32>
        %mul3A_188 = arith.mulf %get3A_185, %mul3A_187 : vector<16xf32>
        %swap3A_189 = arith.index_cast %add3A_171 : i32 to index
        %swap3A_190 = arith.constant 16 : index
        %swap3A_191 = tpu.vector_load %arg8[%swap3A_189, %swap3A_190] {strides = array<i32>} : memref<128x64xf32, #tpu.memory_space<vmem>>, vector<1x16xf32>,
        %swap3A_192 = vector.shape_cast %swap3A_191 : vector<1x16xf32> to vector<16xf32>
        %swap3A_193 = vector.shape_cast %mul3A_188 : vector<16xf32> to vector<1x16xf32>
        tpu.vector_store %arg8[%swap3A_189, %swap3A_190], %swap3A_193 {strides = array<i32>} : memref<128x64xf32, #tpu.memory_space<vmem>>, vector<1x16xf32>,
        %get3A_194 = arith.index_cast %add3A_171 : i32 to index
        %get3A_195 = arith.constant 32 : index
        %get3A_196 = tpu.vector_load %arg8[%get3A_194, %get3A_195] {strides = array<i32>} : memref<128x64xf32, #tpu.memory_space<vmem>>, vector<1x16xf32>,
        %get3A_197 = vector.shape_cast %get3A_196 : vector<1x16xf32> to vector<16xf32>
        %mul3A_198 = arith.constant 8.000000e+00 : f32
        %mul3A_199 = vector.broadcast %mul3A_198 : f32 to vector<16xf32>
        %mul3A_200 = arith.mulf %get3A_197, %mul3A_199 : vector<16xf32>
        %swap3A_201 = arith.index_cast %add3A_171 : i32 to index
        %swap3A_202 = arith.constant 32 : index
        %swap3A_203 = tpu.vector_load %arg8[%swap3A_201, %swap3A_202] {strides = array<i32>} : memref<128x64xf32, #tpu.memory_space<vmem>>, vector<1x16xf32>,
        %swap3A_204 = vector.shape_cast %swap3A_203 : vector<1x16xf32> to vector<16xf32>
        %swap3A_205 = vector.shape_cast %mul3A_200 : vector<16xf32> to vector<1x16xf32>
        tpu.vector_store %arg8[%swap3A_201, %swap3A_202], %swap3A_205 {strides = array<i32>} : memref<128x64xf32, #tpu.memory_space<vmem>>, vector<1x16xf32>,
        %get3A_206 = arith.index_cast %add3A_171 : i32 to index
        %get3A_207 = arith.constant 48 : index
        %get3A_208 = tpu.vector_load %arg8[%get3A_206, %get3A_207] {strides = array<i32>} : memref<128x64xf32, #tpu.memory_space<vmem>>, vector<1x16xf32>,
        %get3A_209 = vector.shape_cast %get3A_208 : vector<1x16xf32> to vector<16xf32>
        %mul3A_210 = arith.constant 8.000000e+00 : f32
        %mul3A_211 = vector.broadcast %mul3A_210 : f32 to vector<16xf32>
        %mul3A_212 = arith.mulf %get3A_209, %mul3A_211 : vector<16xf32>
        %swap3A_213 = arith.index_cast %add3A_171 : i32 to index
        %swap3A_214 = arith.constant 48 : index
        %swap3A_215 = tpu.vector_load %arg8[%swap3A_213, %swap3A_214] {strides = array<i32>} : memref<128x64xf32, #tpu.memory_space<vmem>>, vector<1x16xf32>,
        %swap3A_216 = vector.shape_cast %swap3A_215 : vector<1x16xf32> to vector<16xf32>
        %swap3A_217 = vector.shape_cast %mul3A_212 : vector<16xf32> to vector<1x16xf32>
        tpu.vector_store %arg8[%swap3A_213, %swap3A_214], %swap3A_217 {strides = array<i32>} : memref<128x64xf32, #tpu.memory_space<vmem>>, vector<1x16xf32>,
      }
      %scan3A_121 = arith.constant 128 : i32
      %mul3A_122 = arith.constant 128 : i32
      %mul3A_123 = arith.muli %add3A_110, %mul3A_122 : i32
      %add3A_124 = arith.addi %mul3A_2, %mul3A_123 : i32
      %dma_start3A_125 = arith.constant 0 : i32
      %dma_start3A_126 = tpu.memref_slice %arg4[%add3A_124, %dma_start3A_125] : memref<819200x64xf32, #tpu.memory_space<hbm>> -> memref<128x64xf32, #tpu.memory_space<hbm>>
      %dma_start3A_127 = arith.constant 0 : i32
      %dma_start3A_128 = tpu.memref_slice %arg4[%add3A_124, %dma_start3A_127] : memref<819200x64xf32, #tpu.memory_space<hbm>> -> memref<128x64xf32, #tpu.memory_space<hbm>>
      tpu.enqueue_dma source(%arg8 : memref<128x64xf32, #tpu.memory_space<vmem>>) target(%dma_start3A_128 : memref<128x64xf32, #tpu.memory_space<hbm>>) target_semaphore(%arg16 : memref<!tpu.dma_semaphore, #tpu.memory_space<semaphore_mem>>)
      %add3A_129 = arith.constant 4 : i32
      %add3A_130 = arith.addi %add3A_110, %add3A_129 : i32
      %sub3A_131 = arith.constant 1 : i32
      %sub3A_132 = arith.subi %add3A_130, %sub3A_131 : i32
      %lt3A_133 = arith.constant 200 : i32
      %lt3A_134 = arith.cmpi slt, %sub3A_132, %lt3A_133 : i32
      %convert_element_type3A_135 = arith.extui %lt3A_134 : i1 to i32
      %cond3A_136 = arith.constant 0 : i32
      %cond3A_137 = arith.cmpi ne, %convert_element_type3A_135, %cond3A_136 : i32
      scf.if %cond3A_137 {
        %ge3A = arith.constant 1 : i32
        %ge3A_167 = arith.cmpi sge, %add3A_110, %ge3A : i32
        %convert_element_type3A_168 = arith.extui %ge3A_167 : i1 to i32
        %cond3A_169 = arith.constant 0 : i32
        %cond3A_170 = arith.cmpi ne, %convert_element_type3A_168, %cond3A_169 : i32
        scf.if %cond3A_170 {
          %sub3A_181 = arith.constant 1 : i32
          %sub3A_182 = arith.subi %add3A_110, %sub3A_181 : i32
          %mul3A_183 = arith.constant 128 : i32
          %mul3A_184 = arith.muli %sub3A_182, %mul3A_183 : i32
          %add3A_185 = arith.addi %mul3A_2, %mul3A_184 : i32
          %dma_wait3A_186 = arith.constant 0 : i32
          %dma_wait3A_187 = tpu.memref_slice %arg4[%add3A_185, %dma_wait3A_186] : memref<819200x64xf32, #tpu.memory_space<hbm>> -> memref<128x64xf32, #tpu.memory_space<hbm>>
          %dma_wait3A_188 = arith.constant 0 : i32
          %dma_wait3A_189 = tpu.memref_slice %arg4[%add3A_185, %dma_wait3A_188] : memref<819200x64xf32, #tpu.memory_space<hbm>> -> memref<128x64xf32, #tpu.memory_space<hbm>>
          tpu.wait_dma2 semaphore(%arg15 : memref<!tpu.dma_semaphore, #tpu.memory_space<semaphore_mem>>) src(%arg7 : memref<128x64xf32, #tpu.memory_space<vmem>>) dst(%dma_wait3A_189 : memref<128x64xf32, #tpu.memory_space<hbm>>)
        } else {
        }
        %add3A_171 = arith.constant 4 : i32
        %add3A_172 = arith.addi %add3A_110, %add3A_171 : i32
        %sub3A_173 = arith.constant 1 : i32
        %sub3A_174 = arith.subi %add3A_172, %sub3A_173 : i32
        %dma_start3A_175 = arith.constant 0 : i32
        %dma_start3A_176 = tpu.memref_slice %arg5[%sub3A_174, %dma_start3A_175] : memref<200x128xi32, #tpu.memory_space<vmem>> -> memref<1x128xi32, #tpu.memory_space<vmem>>
        %dma_start3A_177 = tpu.memref_squeeze %dma_start3A_176 : memref<1x128xi32, #tpu.memory_space<vmem>> -> memref<128xi32, #tpu.memory_space<vmem>>
        %dma_start3A_178 = arith.constant 0 : i32
        %dma_start3A_179 = arith.constant 0 : i32
        %dma_start3A_180 = tpu.memref_slice %arg3[%dma_start3A_178, %dma_start3A_179] : memref<1000000x64xf32, #tpu.memory_space<hbm>> -> memref<1000000x64xf32, #tpu.memory_space<hbm>>
        tpu.enqueue_indirect_dma source(%dma_start3A_180 : memref<1000000x64xf32, #tpu.memory_space<hbm>>) target(%arg7 : memref<128x64xf32, #tpu.memory_space<vmem>>) offsets(%dma_start3A_177 : memref<128xi32, #tpu.memory_space<vmem>>) semaphore(%arg11 : memref<!tpu.dma_semaphore, #tpu.memory_space<semaphore_mem>>)
      } else {
      }
      %add3A_138 = arith.constant 3 : i32
      %add3A_139 = arith.addi %add3A_54, %add3A_138 : i32
      %dma_wait3A_140 = arith.constant 0 : i32
      %dma_wait3A_141 = tpu.memref_slice %arg5[%add3A_139, %dma_wait3A_140] : memref<200x128xi32, #tpu.memory_space<vmem>> -> memref<1x128xi32, #tpu.memory_space<vmem>>
      %dma_wait3A_142 = tpu.memref_squeeze %dma_wait3A_141 : memref<1x128xi32, #tpu.memory_space<vmem>> -> memref<128xi32, #tpu.memory_space<vmem>>
      %dma_wait3A_143 = arith.constant 0 : i32
      %dma_wait3A_144 = arith.constant 0 : i32
      %dma_wait3A_145 = tpu.memref_slice %arg3[%dma_wait3A_143, %dma_wait3A_144] : memref<1000000x64xf32, #tpu.memory_space<hbm>> -> memref<1000000x64xf32, #tpu.memory_space<hbm>>
      tpu.wait_indirect_dma semaphore(%arg13 : memref<!tpu.dma_semaphore, #tpu.memory_space<semaphore_mem>>) src(%dma_wait3A_145 : memref<1000000x64xf32, #tpu.memory_space<hbm>>) dst(%arg9 : memref<128x64xf32, #tpu.memory_space<vmem>>)
      %scan3A_146 = arith.constant 0 : i32
      %scan3A_147 = arith.constant 128 : i32
      %scan3A_148 = arith.addi %scan3A_146, %scan3A_147 : i32
      %scan3A_149 = arith.constant 1 : i32
      scf.for %scan3A_167 = %scan3A_146 to %scan3A_148 step %scan3A_149  : i32 {
        %mul3A_168 = arith.constant 1 : i32
        %mul3A_169 = arith.muli %scan3A_167, %mul3A_168 : i32
        %add3A_170 = arith.constant 0 : i32
        %add3A_171 = arith.addi %add3A_170, %mul3A_169 : i32
        %get3A = arith.index_cast %add3A_171 : i32 to index
        %get3A_172 = arith.constant 0 : index
        %get3A_173 = tpu.vector_load %arg9[%get3A, %get3A_172] {strides = array<i32>} : memref<128x64xf32, #tpu.memory_space<vmem>>, vector<1x16xf32>,
        %get3A_174 = vector.shape_cast %get3A_173 : vector<1x16xf32> to vector<16xf32>
        %mul3A_175 = arith.constant 8.000000e+00 : f32
        %mul3A_176 = vector.broadcast %mul3A_175 : f32 to vector<16xf32>
        %mul3A_177 = arith.mulf %get3A_174, %mul3A_176 : vector<16xf32>
        %swap3A = arith.index_cast %add3A_171 : i32 to index
        %swap3A_178 = arith.constant 0 : index
        %swap3A_179 = tpu.vector_load %arg9[%swap3A, %swap3A_178] {strides = array<i32>} : memref<128x64xf32, #tpu.memory_space<vmem>>, vector<1x16xf32>,
        %swap3A_180 = vector.shape_cast %swap3A_179 : vector<1x16xf32> to vector<16xf32>
        %swap3A_181 = vector.shape_cast %mul3A_177 : vector<16xf32> to vector<1x16xf32>
        tpu.vector_store %arg9[%swap3A, %swap3A_178], %swap3A_181 {strides = array<i32>} : memref<128x64xf32, #tpu.memory_space<vmem>>, vector<1x16xf32>,
        %get3A_182 = arith.index_cast %add3A_171 : i32 to index
        %get3A_183 = arith.constant 16 : index
        %get3A_184 = tpu.vector_load %arg9[%get3A_182, %get3A_183] {strides = array<i32>} : memref<128x64xf32, #tpu.memory_space<vmem>>, vector<1x16xf32>,
        %get3A_185 = vector.shape_cast %get3A_184 : vector<1x16xf32> to vector<16xf32>
        %mul3A_186 = arith.constant 8.000000e+00 : f32
        %mul3A_187 = vector.broadcast %mul3A_186 : f32 to vector<16xf32>
        %mul3A_188 = arith.mulf %get3A_185, %mul3A_187 : vector<16xf32>
        %swap3A_189 = arith.index_cast %add3A_171 : i32 to index
        %swap3A_190 = arith.constant 16 : index
        %swap3A_191 = tpu.vector_load %arg9[%swap3A_189, %swap3A_190] {strides = array<i32>} : memref<128x64xf32, #tpu.memory_space<vmem>>, vector<1x16xf32>,
        %swap3A_192 = vector.shape_cast %swap3A_191 : vector<1x16xf32> to vector<16xf32>
        %swap3A_193 = vector.shape_cast %mul3A_188 : vector<16xf32> to vector<1x16xf32>
        tpu.vector_store %arg9[%swap3A_189, %swap3A_190], %swap3A_193 {strides = array<i32>} : memref<128x64xf32, #tpu.memory_space<vmem>>, vector<1x16xf32>,
        %get3A_194 = arith.index_cast %add3A_171 : i32 to index
        %get3A_195 = arith.constant 32 : index
        %get3A_196 = tpu.vector_load %arg9[%get3A_194, %get3A_195] {strides = array<i32>} : memref<128x64xf32, #tpu.memory_space<vmem>>, vector<1x16xf32>,
        %get3A_197 = vector.shape_cast %get3A_196 : vector<1x16xf32> to vector<16xf32>
        %mul3A_198 = arith.constant 8.000000e+00 : f32
        %mul3A_199 = vector.broadcast %mul3A_198 : f32 to vector<16xf32>
        %mul3A_200 = arith.mulf %get3A_197, %mul3A_199 : vector<16xf32>
        %swap3A_201 = arith.index_cast %add3A_171 : i32 to index
        %swap3A_202 = arith.constant 32 : index
        %swap3A_203 = tpu.vector_load %arg9[%swap3A_201, %swap3A_202] {strides = array<i32>} : memref<128x64xf32, #tpu.memory_space<vmem>>, vector<1x16xf32>,
        %swap3A_204 = vector.shape_cast %swap3A_203 : vector<1x16xf32> to vector<16xf32>
        %swap3A_205 = vector.shape_cast %mul3A_200 : vector<16xf32> to vector<1x16xf32>
        tpu.vector_store %arg9[%swap3A_201, %swap3A_202], %swap3A_205 {strides = array<i32>} : memref<128x64xf32, #tpu.memory_space<vmem>>, vector<1x16xf32>,
        %get3A_206 = arith.index_cast %add3A_171 : i32 to index
        %get3A_207 = arith.constant 48 : index
        %get3A_208 = tpu.vector_load %arg9[%get3A_206, %get3A_207] {strides = array<i32>} : memref<128x64xf32, #tpu.memory_space<vmem>>, vector<1x16xf32>,
        %get3A_209 = vector.shape_cast %get3A_208 : vector<1x16xf32> to vector<16xf32>
        %mul3A_210 = arith.constant 8.000000e+00 : f32
        %mul3A_211 = vector.broadcast %mul3A_210 : f32 to vector<16xf32>
        %mul3A_212 = arith.mulf %get3A_209, %mul3A_211 : vector<16xf32>
        %swap3A_213 = arith.index_cast %add3A_171 : i32 to index
        %swap3A_214 = arith.constant 48 : index
        %swap3A_215 = tpu.vector_load %arg9[%swap3A_213, %swap3A_214] {strides = array<i32>} : memref<128x64xf32, #tpu.memory_space<vmem>>, vector<1x16xf32>,
        %swap3A_216 = vector.shape_cast %swap3A_215 : vector<1x16xf32> to vector<16xf32>
        %swap3A_217 = vector.shape_cast %mul3A_212 : vector<16xf32> to vector<1x16xf32>
        tpu.vector_store %arg9[%swap3A_213, %swap3A_214], %swap3A_217 {strides = array<i32>} : memref<128x64xf32, #tpu.memory_space<vmem>>, vector<1x16xf32>,
      }
      %scan3A_150 = arith.constant 128 : i32
      %mul3A_151 = arith.constant 128 : i32
      %mul3A_152 = arith.muli %add3A_139, %mul3A_151 : i32
      %add3A_153 = arith.addi %mul3A_2, %mul3A_152 : i32
      %dma_start3A_154 = arith.constant 0 : i32
      %dma_start3A_155 = tpu.memref_slice %arg4[%add3A_153, %dma_start3A_154] : memref<819200x64xf32, #tpu.memory_space<hbm>> -> memref<128x64xf32, #tpu.memory_space<hbm>>
      %dma_start3A_156 = arith.constant 0 : i32
      %dma_start3A_157 = tpu.memref_slice %arg4[%add3A_153, %dma_start3A_156] : memref<819200x64xf32, #tpu.memory_space<hbm>> -> memref<128x64xf32, #tpu.memory_space<hbm>>
      tpu.enqueue_dma source(%arg9 : memref<128x64xf32, #tpu.memory_space<vmem>>) target(%dma_start3A_157 : memref<128x64xf32, #tpu.memory_space<hbm>>) target_semaphore(%arg17 : memref<!tpu.dma_semaphore, #tpu.memory_space<semaphore_mem>>)
      %add3A_158 = arith.constant 4 : i32
      %add3A_159 = arith.addi %add3A_139, %add3A_158 : i32
      %sub3A_160 = arith.constant 1 : i32
      %sub3A_161 = arith.subi %add3A_159, %sub3A_160 : i32
      %lt3A_162 = arith.constant 200 : i32
      %lt3A_163 = arith.cmpi slt, %sub3A_161, %lt3A_162 : i32
      %convert_element_type3A_164 = arith.extui %lt3A_163 : i1 to i32
      %cond3A_165 = arith.constant 0 : i32
      %cond3A_166 = arith.cmpi ne, %convert_element_type3A_164, %cond3A_165 : i32
      scf.if %cond3A_166 {
        %ge3A = arith.constant 1 : i32
        %ge3A_167 = arith.cmpi sge, %add3A_139, %ge3A : i32
        %convert_element_type3A_168 = arith.extui %ge3A_167 : i1 to i32
        %cond3A_169 = arith.constant 0 : i32
        %cond3A_170 = arith.cmpi ne, %convert_element_type3A_168, %cond3A_169 : i32
        scf.if %cond3A_170 {
          %sub3A_181 = arith.constant 1 : i32
          %sub3A_182 = arith.subi %add3A_139, %sub3A_181 : i32
          %mul3A_183 = arith.constant 128 : i32
          %mul3A_184 = arith.muli %sub3A_182, %mul3A_183 : i32
          %add3A_185 = arith.addi %mul3A_2, %mul3A_184 : i32
          %dma_wait3A_186 = arith.constant 0 : i32
          %dma_wait3A_187 = tpu.memref_slice %arg4[%add3A_185, %dma_wait3A_186] : memref<819200x64xf32, #tpu.memory_space<hbm>> -> memref<128x64xf32, #tpu.memory_space<hbm>>
          %dma_wait3A_188 = arith.constant 0 : i32
          %dma_wait3A_189 = tpu.memref_slice %arg4[%add3A_185, %dma_wait3A_188] : memref<819200x64xf32, #tpu.memory_space<hbm>> -> memref<128x64xf32, #tpu.memory_space<hbm>>
          tpu.wait_dma2 semaphore(%arg16 : memref<!tpu.dma_semaphore, #tpu.memory_space<semaphore_mem>>) src(%arg8 : memref<128x64xf32, #tpu.memory_space<vmem>>) dst(%dma_wait3A_189 : memref<128x64xf32, #tpu.memory_space<hbm>>)
        } else {
        }
        %add3A_171 = arith.constant 4 : i32
        %add3A_172 = arith.addi %add3A_139, %add3A_171 : i32
        %sub3A_173 = arith.constant 1 : i32
        %sub3A_174 = arith.subi %add3A_172, %sub3A_173 : i32
        %dma_start3A_175 = arith.constant 0 : i32
        %dma_start3A_176 = tpu.memref_slice %arg5[%sub3A_174, %dma_start3A_175] : memref<200x128xi32, #tpu.memory_space<vmem>> -> memref<1x128xi32, #tpu.memory_space<vmem>>
        %dma_start3A_177 = tpu.memref_squeeze %dma_start3A_176 : memref<1x128xi32, #tpu.memory_space<vmem>> -> memref<128xi32, #tpu.memory_space<vmem>>
        %dma_start3A_178 = arith.constant 0 : i32
        %dma_start3A_179 = arith.constant 0 : i32
        %dma_start3A_180 = tpu.memref_slice %arg3[%dma_start3A_178, %dma_start3A_179] : memref<1000000x64xf32, #tpu.memory_space<hbm>> -> memref<1000000x64xf32, #tpu.memory_space<hbm>>
        tpu.enqueue_indirect_dma source(%dma_start3A_180 : memref<1000000x64xf32, #tpu.memory_space<hbm>>) target(%arg8 : memref<128x64xf32, #tpu.memory_space<vmem>>) offsets(%dma_start3A_177 : memref<128xi32, #tpu.memory_space<vmem>>) semaphore(%arg12 : memref<!tpu.dma_semaphore, #tpu.memory_space<semaphore_mem>>)
      } else {
      }
    }
    %scan3A_26 = arith.constant 50 : i32
    %add3A_27 = arith.constant 25088 : i32
    %add3A_28 = arith.addi %mul3A_2, %add3A_27 : i32
    %dma_wait3A = arith.constant 0 : i32
    %dma_wait3A_29 = tpu.memref_slice %arg4[%add3A_28, %dma_wait3A] : memref<819200x64xf32, #tpu.memory_space<hbm>> -> memref<128x64xf32, #tpu.memory_space<hbm>>
    %dma_wait3A_30 = arith.constant 0 : i32
    %dma_wait3A_31 = tpu.memref_slice %arg4[%add3A_28, %dma_wait3A_30] : memref<819200x64xf32, #tpu.memory_space<hbm>> -> memref<128x64xf32, #tpu.memory_space<hbm>>
    tpu.wait_dma2 semaphore(%arg14 : memref<!tpu.dma_semaphore, #tpu.memory_space<semaphore_mem>>) src(%arg6 : memref<128x64xf32, #tpu.memory_space<vmem>>) dst(%dma_wait3A_31 : memref<128x64xf32, #tpu.memory_space<hbm>>)
    %add3A_32 = arith.constant 25216 : i32
    %add3A_33 = arith.addi %mul3A_2, %add3A_32 : i32
    %dma_wait3A_34 = arith.constant 0 : i32
    %dma_wait3A_35 = tpu.memref_slice %arg4[%add3A_33, %dma_wait3A_34] : memref<819200x64xf32, #tpu.memory_space<hbm>> -> memref<128x64xf32, #tpu.memory_space<hbm>>
    %dma_wait3A_36 = arith.constant 0 : i32
    %dma_wait3A_37 = tpu.memref_slice %arg4[%add3A_33, %dma_wait3A_36] : memref<819200x64xf32, #tpu.memory_space<hbm>> -> memref<128x64xf32, #tpu.memory_space<hbm>>
    tpu.wait_dma2 semaphore(%arg15 : memref<!tpu.dma_semaphore, #tpu.memory_space<semaphore_mem>>) src(%arg7 : memref<128x64xf32, #tpu.memory_space<vmem>>) dst(%dma_wait3A_37 : memref<128x64xf32, #tpu.memory_space<hbm>>)
    %add3A_38 = arith.constant 25344 : i32
    %add3A_39 = arith.addi %mul3A_2, %add3A_38 : i32
    %dma_wait3A_40 = arith.constant 0 : i32
    %dma_wait3A_41 = tpu.memref_slice %arg4[%add3A_39, %dma_wait3A_40] : memref<819200x64xf32, #tpu.memory_space<hbm>> -> memref<128x64xf32, #tpu.memory_space<hbm>>
    %dma_wait3A_42 = arith.constant 0 : i32
    %dma_wait3A_43 = tpu.memref_slice %arg4[%add3A_39, %dma_wait3A_42] : memref<819200x64xf32, #tpu.memory_space<hbm>> -> memref<128x64xf32, #tpu.memory_space<hbm>>
    tpu.wait_dma2 semaphore(%arg16 : memref<!tpu.dma_semaphore, #tpu.memory_space<semaphore_mem>>) src(%arg8 : memref<128x64xf32, #tpu.memory_space<vmem>>) dst(%dma_wait3A_43 : memref<128x64xf32, #tpu.memory_space<hbm>>)
    %add3A_44 = arith.constant 25472 : i32
    %add3A_45 = arith.addi %mul3A_2, %add3A_44 : i32
    %dma_wait3A_46 = arith.constant 0 : i32
    %dma_wait3A_47 = tpu.memref_slice %arg4[%add3A_45, %dma_wait3A_46] : memref<819200x64xf32, #tpu.memory_space<hbm>> -> memref<128x64xf32, #tpu.memory_space<hbm>>
    %dma_wait3A_48 = arith.constant 0 : i32
    %dma_wait3A_49 = tpu.memref_slice %arg4[%add3A_45, %dma_wait3A_48] : memref<819200x64xf32, #tpu.memory_space<hbm>> -> memref<128x64xf32, #tpu.memory_space<hbm>>
    tpu.wait_dma2 semaphore(%arg17 : memref<!tpu.dma_semaphore, #tpu.memory_space<semaphore_mem>>) src(%arg9 : memref<128x64xf32, #tpu.memory_space<vmem>>) dst(%dma_wait3A_49 : memref<128x64xf32, #tpu.memory_space<hbm>>)
    return
  }
}

</mosaic_0001>

<sc_bundles>
// kernel: kernel.3.cloned.1.call-start
scs
__scs_entry_jumppad:
0x0: {  	(pc) =	sbr.rel $0x88, $3  }
0x1: {  	(tag) =	ssettag $0x0;
	lr =	simm.s32 $0x1  }
0x2: {  	[smem:$0x3F9F] =	sst lr;
	_ =	strace $0xD0000000  }
0x3: {  	_ = 	snop  }
0x4: {  	_ = 	snop  }
0x5: {  	_ = 	snop  }
0x6: {  	_ = 	snop  }
0x7: {  	_ = 	snop  }
__scs_overlays_trampoline_lowered:
0x8: {  	[smem:$0x3FAE] =	sst s0  }
0x9: {  	[smem:$0x3FAF] =	sst s1  }
0xa: {  	[smem:$0x3FB0] =	sst s2  }
0xb: {  	[smem:$0x3FB1] =	sst s3  }
0xc: {  	[smem:$0x3FB2] =	sst s4  }
0xd: {  	[smem:$0x3FB3] =	sst s5  }
0xe: {  	[smem:$0x3FB4] =	sst s6  }
0xf: {  	[smem:$0x3FB5] =	sst s7  }
0x10: {  	[smem:$0x3FB6] =	sst s8  }
0x11: {  	[smem:$0x3FB7] =	sst s9;
	s0 =	simm.s32 @!p0 $0x0  }
0x12: {  	s1 =	sld [smem:$0x3F9D];
	s0 =	simm.s32 @p0 $0x1  }
0x13: {  	[smem:$0x3FB8] =	sst s0;
	s0 =	simm.s32 @!p1 $0x0  }
0x14: {  	s2 =	sld [smem:$0x3F9C];
	s0 =	simm.s32 @p1 $0x1  }
0x15: {  	[smem:$0x3FB9] =	sst s0;
	s0 =	simm.s32 @!p2 $0x0  }
0x16: {  	s3 =	sld [smem:$0x3FDB];
	s0 =	simm.s32 @p2 $0x1  }
0x17: {  	s4 =	simm.s32 $0x1BF5;
	[smem:$0x3FBB] =	sst s0  }
0x18: {  	s0 =	sld [smem:$0x3F9E];
	_ =	swait.ge [sflag:s4], $0x0  }
0x19: {  	s7 =	sld [smem:$0x3F9F]  }
0x1a: {  	s8 =	sadd.s32 $0xFFFFE003, lr  }
0x1b: {  	s9 =	sadd.s32 $0xFFFFFEF7, lr;
	s5 =	simm.s32 $0xFFFFFFFF;
	p2 =	slt.u32 s8, $0xFFFFF086  }
0x1c: {  	p1 =	slt.u32 s9, $0xF7A;
	s5 =	simm.s32 @!p2 $0x0  }
0x1d: {  	s5 =	simm.s32 @p1 $0x1;
	p0 =	seq.s32 s7, s2  }
0x1e: {  	s7 =	smul.u32 @!p0 $0xF7A, s2;
	p2 =	seq.s32 @!p0 s5, $0x0  }
0x1f: {  	s9 =	smul.u32 $0xF7A, s1;
	s8 =	simm.s32 @!p0 $0x1BF5;
	p2 =	por !p2, p0  }
0x20: {  	[sflag:s8] =	ssyncset.s32 @!p0 $0xFFFFF086;
	s6 =	sadd.s32 @!p0 s3, s7;
	s7 =	simm.s32 @!p0 $0x108  }
0x21: {  	s3 =	sadd.s32 s3, s9;
	s6 =	sadd.s32 @!p0 $0x88, s6;
	s7 =	simm.s32 @p2 $0x1082  }
0x22: {  	[simem:s7], [sflag:s8] =	dma.local @!p0 [hbm:s6], $0xF7A  }
0x23: {  	s9 =	sor.u32 $0xD0000000, s2;
	s6 =	simm.s32 $0x108;
	_ =	swait.ge @!p0 [sflag:s8], $0x0  }
0x24: {  	s3 =	sadd.s32 $0x88, s3;
	s6 =	simm.s32 @!p1 $0x1082;
	[sflag:s4] =	ssyncset.s32 $0xFFFFF086  }
0x25: {  	[simem:s6], [sflag:s4] =	dma.local [hbm:s3], $0xF7A  }
0x26: {  	[smem:$0x3F9F] =	sst s1;
	(tag) =	ssettag s2;
	_ =	strace s9  }
0x27: {  	s1 =	sld [smem:$0x3FAF]  }
0x28: {  	s2 =	sld [smem:$0x3FB0]  }
0x29: {  	s4 =	sld [smem:$0x3FB2]  }
0x2a: {  	p0 =	seq.s32 s5, $0x0;
	s5 =	sld [smem:$0x3FB3]  }
0x2b: {  	s6 =	sld [smem:$0x3FB4]  }
0x2c: {  	s7 =	sld [smem:$0x3FB5]  }
0x2d: {  	s3 =	simm.s32 $0x108;
	s8 =	sld [smem:$0x3FB6]  }
0x2e: {  	s3 =	simm.s32 @!p0 $0x1082;
	s9 =	sld [smem:$0x3FB7]  }
0x2f: {  	lr =	sadd.s32 s0, s3;
	s0 =	sld [smem:$0x3FAE]  }
0x30: {  	s3 =	sld [smem:$0x3FB1]  }
0x31: {  	[smem:$0x3FBA] =	sst s10  }
0x32: {  	s10 =	sld [smem:$0x3FB8];
	_ =	sdelay $0x3  }
0x33: {  	p0 =	seq.s32 s10, $0x1;
	s10 =	sld [smem:$0x3FBA];
	_ =	sdelay $0x3  }
0x34: {  	[smem:$0x3FBA] =	sst s10  }
0x35: {  	s10 =	sld [smem:$0x3FB9];
	_ =	sdelay $0x3  }
0x36: {  	p1 =	seq.s32 s10, $0x1;
	s10 =	sld [smem:$0x3FBA];
	_ =	sdelay $0x3  }
0x37: {  	[smem:$0x3FBA] =	sst s10  }
0x38: {  	s10 =	sld [smem:$0x3FBB]  }
0x39: {  	_ = 	snop;
	(pc) =	sbr.ind lr, $3  }
0x3a: {  	_ = 	snop  }
0x3b: {  	_ = 	snop  }
0x3c: {  	p2 =	seq.s32 s10, $0x1;
	s10 =	sld [smem:$0x3FBA]  }
0x3d: {  	_ =	shalt  }
0x3e: {  	_ =	shalt  }
0x3f: {  	_ =	shalt  }
0x40: {  	_ =	shalt  }
0x41: {  	_ =	shalt  }
0x42: {  	_ =	shalt  }
0x43: {  	_ =	shalt  }
0x44: {  	_ =	shalt  }
0x45: {  	_ =	shalt  }
0x46: {  	_ =	shalt  }
0x47: {  	_ =	shalt  }
0x48: {  	_ =	shalt  }
0x49: {  	_ =	shalt  }
0x4a: {  	_ =	shalt  }
0x4b: {  	_ =	shalt  }
0x4c: {  	_ =	shalt  }
0x4d: {  	_ =	shalt  }
0x4e: {  	_ =	shalt  }
0x4f: {  	_ =	shalt  }
0x50: {  	_ =	shalt  }
0x51: {  	_ =	shalt  }
0x52: {  	_ =	shalt  }
0x53: {  	_ =	shalt  }
0x54: {  	_ =	shalt  }
0x55: {  	_ =	shalt  }
0x56: {  	_ =	shalt  }
0x57: {  	_ =	shalt  }
0x58: {  	_ =	shalt  }
0x59: {  	_ =	shalt  }
0x5a: {  	_ =	shalt  }
0x5b: {  	_ =	shalt  }
0x5c: {  	_ =	shalt  }
0x5d: {  	_ =	shalt  }
0x5e: {  	_ =	shalt  }
0x5f: {  	_ =	shalt  }
0x60: {  	_ =	shalt  }
0x61: {  	_ =	shalt  }
0x62: {  	_ =	shalt  }
0x63: {  	_ =	shalt  }
0x64: {  	_ =	shalt  }
0x65: {  	_ =	shalt  }
0x66: {  	_ =	shalt  }
0x67: {  	_ =	shalt  }
0x68: {  	_ =	shalt  }
0x69: {  	_ =	shalt  }
0x6a: {  	_ =	shalt  }
0x6b: {  	_ =	shalt  }
0x6c: {  	_ =	shalt  }
0x6d: {  	_ =	shalt  }
0x6e: {  	_ =	shalt  }
0x6f: {  	_ =	shalt  }
0x70: {  	_ =	shalt  }
0x71: {  	_ =	shalt  }
0x72: {  	_ =	shalt  }
0x73: {  	_ =	shalt  }
0x74: {  	_ =	shalt  }
0x75: {  	_ =	shalt  }
0x76: {  	_ =	shalt  }
0x77: {  	_ =	shalt  }
0x78: {  	_ =	shalt  }
0x79: {  	_ =	shalt  }
0x7a: {  	_ =	shalt  }
0x7b: {  	_ =	shalt  }
0x7c: {  	_ =	shalt  }
0x7d: {  	_ =	shalt  }
0x7e: {  	_ =	shalt  }
0x7f: {  	_ =	shalt  }
0x80: {  	_ =	shalt  }
0x81: {  	_ =	shalt  }
0x82: {  	_ =	shalt  }
0x83: {  	_ =	shalt  }
0x84: {  	_ =	shalt  }
0x85: {  	_ =	shalt  }
0x86: {  	_ =	shalt  }
0x87: {  	_ =	shalt  }
.Lfunc_end0:
.L_simem_size_0:
called_computation.1_lowered:
.L_overlay_start_0:
0x88: {  	s2 =	sld [smem:$0x3FD9]  }
0x89: {  	s3 =	sld [smem:$0x3FFE];
	_ =	sdelay $0x1  }
0x8a: {  	s1 =	srdreg.scid  }
0x8b: {  	s0 =	sand.u32 $0x1, s1  }
0x8c: {  	s17 =	sshll.u32 s0, $0xA;
	s2 =	sadd.s32 s3, s2  }
0x8d: {  	s2 =	sadd.s32 s2, s17  }
0x8e: {  	[smem:$0x3FC6] =	sst s2  }
0x8f: {  	_ = 	snop  }
0x90: {  	s2 =	sld [smem:$0x3FD0];
	(tm) =	ssettm $0x1  }
0x91: {  	s18 =	sld [smem:$0x3FFB];
	_ =	sdelay $0x3  }
0x92: {  	_ =	strace s18  }
0x93: {  	s3 =	sld [smem:$0x3FFC];
	_ =	sdelay $0x3  }
0x94: {  	_ =	strace s3  }
0x95: {  	s3 =	sld [smem:$0x3FFD];
	_ =	sdelay $0x3  }
0x96: {  	_ =	strace s3  }
0x97: {  	_ =	strace $0x8FFFFFFF  }
0x98: {  	s19 =	sld [smem:$0x3FDB];
	_ =	sdelay $0x1  }
0x99: {  	s4 =	simm.s32 $_scs_section_size  }
0x9a: {  	s5 =	simm.s32 $_size__tile_overlayer_lowered;
	s6 =	simm.s32 $_tile_overlayer_lowered  }
0x9b: {  	s22 =	simm.s32 $0x1BFF;
	s21 =	sshll.u32 s6, $0x1;
	s3 =	sadd.s32 s4, s19  }
0x9c: {  	s7 =	simm.s32 $0x0;
	s20 =	sshll.u32 s5, $0x1;
	s5 =	sadd.s32 s21, s3  }
0x9d: {  	[timem:s7], [sflag:s22] =	dma.local [hbm:s5], s20  }
0x9e: {  	_ =	swait.ge [sflag:s22], s20  }
0x9f: {  	s4 =	ssub.s32 $0x0, s20;
	[sflag:s22] =	ssyncset.done $0x0  }
0xa0: {  	[sflag:s22] =	ssyncadd.s32 s4;
	_ =	sdelay $0x1  }
0xa1: {  	s23 =	simm.s32 $0x1B8B  }
0xa2: {  	_ =	swait.ge [sflag:s23], $0x1  }
0xa3: {  	[sflag:s23] =	ssyncset.done $0x0  }
0xa4: {  	s25 =	simm.s32 $0x1B8E;
	s24 =	sld [smem:$0x3FFE];
	[sflag:s23] =	ssyncadd.s32 $0xFFFFFFFF  }
0xa5: {  	s26 =	simm.s32 $execute0_lowered;
	[smem:$0x3FD2] =	sst s25  }
0xa6: {  	s5 =	sshll.u32 s26, $0x1;
	_ =	strace $0x80000046;
	[dreg:$0x1] =	wrdreg $0xFFFFFFFF  }
0xa7: {  	s28 =	simm.s32 $_size_execute0_lowered;
	s3 =	sadd.s32 s3, s5;
	[dreg:$0x0] =	wrdreg $0x0  }
0xa8: {  	s5 =	sshll.u32 s28, $0x1;
	[dreg:$0x2] =	wrdreg s3  }
0xa9: {  	[dreg:$0x3] =	wrdreg s5  }
0xaa: {  	[dreg:$0x4] =	wrdreg $0xC0  }
0xab: {  	_ =	task [dreg:s7], $0x5FFFF  }
0xac: {  	[dreg:$0x1] =	wrdreg $0xFFFFFFFF  }
0xad: {  	[dreg:$0x0] =	wrdreg $0x60  }
0xae: {  	[dreg:$0x2] =	wrdreg s24  }
0xaf: {  	[dreg:$0x3] =	wrdreg s2  }
0xb0: {  	[dreg:$0x4] =	wrdreg $0x9  }
0xb1: {  	_ =	task.clear_ibuf [dreg:s7], $0x5FFFF;
	_ =	strace $0x90000046  }
0xb2: {  	s29 =	simm.s32 $0x9;
	_ =	strace $0x80000048  }
0xb3: {  	_ =	swait.ge [sflag:s29], $0x1  }
0xb4: {  	[sflag:s29] =	ssyncadd.s32 $0xFFFFFFFF  }
0xb5: {  	_ =	strace $0x90000048  }
0xb6: {  	_ =	sfence  }
0xb7: {  	s30 =	sld [smem:$0x0];
	_ =	sdelay $0x2  }
0xb8: {  	s31 =	sshll.u32 s1, $0xD;
	s1 =	sshrl.u32 s1, $0x2  }
0xb9: {  	s3 =	sand.u32 $0x4000, s31;
	s1 =	sadd.s32 s1, s30  }
0xba: {  	s0 =	sor.u32 s3, s0;
	s1 =	sshll.u32 s1, $0x11  }
0xbb: {  	s0 =	sor.u32 s1, s0  }
0xbc: {  	s0 =	sadd.s32 $0x8F2B, s0  }
0xbd: {  	[sflag:s0] =	ssyncadd.remote.s32 $0x1  }
0xbe: {  	_ =	sfence.sel $0xFFFF  }
0xbf: {  	[dreg:$0x0] =	wrdreg $0xFFFFFFFF;
	(pc) =	sbr.abs _section_cstart, $3  }
0xc0: {  	[dreg:$0x1] =	wrdreg $0xFFFFFFFF  }
0xc1: {  	_ =	task.clear_ibuf [dreg:s7], $0x2FFFF;
	_ =	strace $0x9FFFFFFF  }
0xc2: {  	(tm) =	ssettm $0x7FFFFFFF  }
0xc3: {  	_ =	shalt  }
tec
execute0_lowered:
.L_overlay_start_1:
0x0: {  	(tag) =	ssettag $0x1  }
0x1: {  	s1 =	rddreg [dreg:$0x0];
	s3 =	srdreg.scid  }
0x2: {  	s0 =	stileid.u32;
	s2 =	rddreg [dreg:$0x1];
	s10 =	simm.s32 $0x9  }
0x3: {  	s11 =	simm.s32 $0x80;
	s12 =	simm.s32 $0x6400;
	s13 =	simm.s32 $0x8400  }
0x4: {  	s14 =	simm.s32 $0x100;
	s15 =	simm.s32 $0xA400;
	s16 =	simm.s32 $0x1  }
0x5: {  	s17 =	simm.s32 $0xC400;
	s18 =	simm.s32 $0x2;
	s19 =	simm.s32 $0x3  }
0x6: {  	s20 =	simm.s32 $0x4;
	s4 =	sand.u32 $0x1, s3;
	s5 =	sshll.u32 s0, $0x1  }
0x7: {  	s21 =	simm.s32 $0x5;
	s22 =	simm.s32 $0x6;
	s5 =	sor.u32 s4, s5  }
0x8: {  	s23 =	simm.s32 $0x7;
	s24 =	simm.s32 $0x8;
	s6 =	smul.u32 $0xC80, s5  }
.Ltmp0:
0x9: {  	s25 =	simm.s32 $0x0;
	s3 =	simm.s32 $0x0;
	(pc) =	sbr.rel .LBB2_1-.Ltmp0, $4  }
0xa: {  	[smem:$0x7FF] =	sst s3;
	s7 =	ssub.s32 $0x2, s4;
	s4 =	smul.u32 $0x190000, s5  }
0xb: {  	_ =	strace $0x80000047;
	s5 =	sadd.s32 $0xF42E00, s1;
	s31 =	sshrl.u32 s7, $0x1  }
0xc: {  	s6 =	sadd.s32 s6, s1;
	s1 =	ssub.s32 s7, s31;
	s7 =	sor.u32 $0x2000, s4  }
0xd: {  	s8 =	sor.u32 $0x4000, s4;
	s6 =	sadd.s32 $0xA00, s6;
	s9 =	smax.u32 s1, $0x1  }
.LBB2_12:
0xe: {  	_ =	swait.ge [sflag:s21], $0x2000  }
0xf: {  	[sflag:s21] =	ssyncset.done $0x0  }
0x10: {  	[sflag:s21] =	ssyncadd.s32 $0xFFFFE000  }
0x11: {  	_ =	swait.ge [sflag:s22], $0x2000  }
0x12: {  	[sflag:s22] =	ssyncset.done $0x0  }
0x13: {  	s25 =	sadd.s32 $0x1, s25;
	[sflag:s22] =	ssyncadd.s32 $0xFFFFE000  }
0x14: {  	p0 =	sne.s32 s25, s9;
	_ =	swait.ge [sflag:s23], $0x2000  }
.Ltmp1:
0x15: {  	[sflag:s23] =	ssyncset.done $0x0;
	(pc) =	sbr.rel @!p0 .LBB2_13-.Ltmp1, $4  }
0x16: {  	[sflag:s23] =	ssyncadd.s32 $0xFFFFE000  }
0x17: {  	_ =	swait.ge [sflag:s24], $0x2000  }
0x18: {  	[sflag:s24] =	ssyncset.done $0x0  }
0x19: {  	[sflag:s24] =	ssyncadd.s32 $0xFFFFE000  }
.LBB2_1:
0x1a: {  	[tilespmem:s3], [sflag:$0x9] =	stream.linear.gather [hbm4b:s6+s3], $0x6400, $0x38;
	[tilespmem:$0xE400] =	vst v63  }
0x1b: {  	_ =	swait.ge [sflag:s10], $0x6400  }
0x1c: {  	[sflag:s10] =	ssyncset.done $0x0  }
0x1d: {  	[sflag:s10] =	ssyncadd.s32 $0xFFFF9C00  }
0x1e: {  	[tilespmem:s12], [sflag:$0x1] =	stream.indirect.gather [hbm4b:s5+s11], $0x40, s3, s11, $0xb8;
	[tilespmem:$0xE400] =	vst v63  }
0x1f: {  	_ = 	snop  }
0x20: {  	[tilespmem:s13], [sflag:$0x2] =	stream.indirect.gather [hbm4b:s5+s11], $0x40, s11, s11, $0xb8;
	[tilespmem:$0xE400] =	vst v63  }
0x21: {  	s26 =	simm.s32 $0x0  }
0x22: {  	[tilespmem:s15], [sflag:$0x3] =	stream.indirect.gather [hbm4b:s5+s11], $0x40, s14, s11, $0xb8;
	[tilespmem:$0xE400] =	vst v63  }
.LBB2_2:
0x23: {  	_ =	swait.ge [sflag:s16], $0x2000  }
0x24: {  	[sflag:s16] =	ssyncset.done $0x0  }
0x25: {  	s28 =	simm.s32 $0x0;
	[sflag:s16] =	ssyncadd.s32 $0xFFFFE000  }
0x26: {  	v0 =	vld [tilespmem:s28+$0x6400]  }
0x27: {  	v2 =	vld [tilespmem:s28+$0x6410]  }
0x28: {  	s29 =	simm.s32 $0x100;
	v1 =	vld [tilespmem:s28+$0x6420]  }
.LBB2_3:
0x29: {  	p0 =	sne.s32 s29, $0x7F00;
	v3 =	vld [tilespmem:s28+$0x6430];
	_ =	sdelay $0x1  }
0x2a: {  	v0 =	vmul.f32 $8.000000000e+00, v0  }
.Ltmp2:
0x2b: {  	v2 =	vmul.f32 $8.000000000e+00, v2;
	(pc) =	sbr.rel @p0 .LBB2_3-.Ltmp2, $4  }
0x2c: {  	s1 =	sshra.s32 s29, $0x2;
	[tilespmem:s28+$0x6400] =	vst v0;
	v1 =	vmul.f32 $8.000000000e+00, v1  }
0x2d: {  	v0 =	vld [tilespmem:s1+$0x6400];
	[tilespmem:s28+$0x6410] =	vst v2;
	v3 =	vmul.f32 $8.000000000e+00, v3  }
0x2e: {  	v2 =	vld [tilespmem:s1+$0x6410];
	[tilespmem:s28+$0x6420] =	vst v1  }
0x2f: {  	s29 =	sadd.s32 $0x100, s29;
	v1 =	vld [tilespmem:s1+$0x6420];
	[tilespmem:s28+$0x6430] =	vst v3;
	s28 =	smov.u32 s1  }
0x30: {  	v3 =	vld [tilespmem:s28+$0x6430];
	_ =	sdelay $0x1  }
0x31: {  	v0 =	vmul.f32 $8.000000000e+00, v0  }
0x32: {  	v2 =	vmul.f32 $8.000000000e+00, v2  }
0x33: {  	s29 =	sshll.u32 s26, $0xF;
	[tilespmem:s28+$0x6400] =	vst v0;
	v0 =	vmul.f32 $8.000000000e+00, v1  }
0x34: {  	s1 =	sadd.s32 s4, s29;
	[tilespmem:s28+$0x6410] =	vst v2;
	v1 =	vmul.f32 $8.000000000e+00, v3  }
0x35: {  	s1 =	sshrl.u32 s1, $0x3;
	[tilespmem:s28+$0x6420] =	vst v0  }
0x36: {  	p0 =	seq.s32 s26, $0x0;
	s1 =	sadd.s32 s2, s1;
	[tilespmem:s28+$0x6430] =	vst v1  }
0x37: {  	[hbm4b:s1+s3] =	stream.linear.scatter [tilespmem:s12], [sflag:$0x5], $0x2000, $0x38;
	[tilespmem:$0xE400] =	vst v63  }
0x38: {  	s1 =	simm.s32 @!p0 $0x8  }
0x39: {  	s28 =	sshllo.u32 s26, $0x2;
	_ =	swait.ge @!p0 [sflag:s1], $0x2000  }
0x3a: {  	s30 =	sshll.u32 s28, $0x7;
	[sflag:s1] =	ssyncset.done @!p0 $0x0  }
0x3b: {  	s0 =	sand.u32 $0x3FFFFF80, s30;
	[sflag:s1] =	ssyncadd.s32 @!p0 $0xFFFFE000  }
0x3c: {  	[tilespmem:s17], [sflag:$0x4] =	stream.indirect.gather [hbm4b:s5+s11], $0x40, s0, s11, $0xb8;
	[tilespmem:$0xE400] =	vst v63  }
0x3d: {  	_ =	swait.ge [sflag:s18], $0x2000  }
0x3e: {  	[sflag:s18] =	ssyncset.done $0x0  }
0x3f: {  	s30 =	simm.s32 $0x0;
	[sflag:s18] =	ssyncadd.s32 $0xFFFFE000  }
0x40: {  	v0 =	vld [tilespmem:s30+$0x8400]  }
0x41: {  	v2 =	vld [tilespmem:s30+$0x8410]  }
0x42: {  	s31 =	simm.s32 $0x100;
	v1 =	vld [tilespmem:s30+$0x8420]  }
.LBB2_5:
0x43: {  	p0 =	sne.s32 s31, $0x7F00;
	v3 =	vld [tilespmem:s30+$0x8430];
	_ =	sdelay $0x1  }
0x44: {  	v0 =	vmul.f32 $8.000000000e+00, v0  }
.Ltmp3:
0x45: {  	v2 =	vmul.f32 $8.000000000e+00, v2;
	(pc) =	sbr.rel @p0 .LBB2_5-.Ltmp3, $4  }
0x46: {  	s1 =	sshra.s32 s31, $0x2;
	[tilespmem:s30+$0x8400] =	vst v0;
	v1 =	vmul.f32 $8.000000000e+00, v1  }
0x47: {  	v0 =	vld [tilespmem:s1+$0x8400];
	[tilespmem:s30+$0x8410] =	vst v2;
	v3 =	vmul.f32 $8.000000000e+00, v3  }
0x48: {  	v2 =	vld [tilespmem:s1+$0x8410];
	[tilespmem:s30+$0x8420] =	vst v1  }
0x49: {  	s31 =	sadd.s32 $0x100, s31;
	v1 =	vld [tilespmem:s1+$0x8420];
	[tilespmem:s30+$0x8430] =	vst v3;
	s30 =	smov.u32 s1  }
0x4a: {  	v3 =	vld [tilespmem:s30+$0x8430];
	_ =	sdelay $0x1  }
0x4b: {  	v0 =	vmul.f32 $8.000000000e+00, v0  }
0x4c: {  	v2 =	vmul.f32 $8.000000000e+00, v2  }
0x4d: {  	[tilespmem:s30+$0x8400] =	vst v0;
	v0 =	vmul.f32 $8.000000000e+00, v1  }
0x4e: {  	s1 =	sadd.s32 s29, s7;
	[tilespmem:s30+$0x8410] =	vst v2;
	v1 =	vmul.f32 $8.000000000e+00, v3  }
0x4f: {  	s1 =	sshrl.u32 s1, $0x3;
	[tilespmem:s30+$0x8420] =	vst v0  }
0x50: {  	p0 =	seq.s32 s26, $0x31;
	s1 =	sadd.s32 s2, s1;
	[tilespmem:s30+$0x8430] =	vst v1  }
0x51: {  	[hbm4b:s1+s3] =	stream.linear.scatter [tilespmem:s13], [sflag:$0x6], $0x2000, $0x38;
	[tilespmem:$0xE400] =	vst v63  }
0x52: {  	s1 =	simm.s32 @!p0 $0x5  }
0x53: {  	s30 =	sshll.u32 @!p0 s26, $0x9;
	_ =	swait.ge @!p0 [sflag:s1], $0x2000  }
0x54: {  	s31 =	simm.s32 @!p0 $0x80;
	s30 =	sand.u32 @!p0 $0x3FFFFE00, s30;
	[sflag:s1] =	ssyncset.done @!p0 $0x0  }
0x55: {  	s0 =	simm.s32 @!p0 $0x6400;
	[sflag:s1] =	ssyncadd.s32 @!p0 $0xFFFFE000;
	s1 =	sadd.s32 @!p0 $0x200, s30  }
0x56: {  	[tilespmem:s0], [sflag:$0x1] =	stream.indirect.gather @!p0 [hbm4b:s5+s31], $0x40, s1, s31, $0xb8;
	[tilespmem:$0xE400] =	vst v63  }
0x57: {  	_ =	swait.ge [sflag:s19], $0x2000  }
0x58: {  	[sflag:s19] =	ssyncset.done $0x0  }
0x59: {  	s31 =	simm.s32 $0x0;
	[sflag:s19] =	ssyncadd.s32 $0xFFFFE000  }
0x5a: {  	v0 =	vld [tilespmem:s31+$0xA400]  }
0x5b: {  	v2 =	vld [tilespmem:s31+$0xA410]  }
0x5c: {  	s1 =	simm.s32 $0x100;
	v1 =	vld [tilespmem:s31+$0xA420]  }
.LBB2_7:
0x5d: {  	p1 =	sne.s32 s1, $0x7F00;
	v3 =	vld [tilespmem:s31+$0xA430];
	_ =	sdelay $0x1  }
0x5e: {  	v0 =	vmul.f32 $8.000000000e+00, v0  }
.Ltmp4:
0x5f: {  	v2 =	vmul.f32 $8.000000000e+00, v2;
	(pc) =	sbr.rel @p1 .LBB2_7-.Ltmp4, $4  }
0x60: {  	s0 =	sshra.s32 s1, $0x2;
	[tilespmem:s31+$0xA400] =	vst v0;
	v1 =	vmul.f32 $8.000000000e+00, v1  }
0x61: {  	v0 =	vld [tilespmem:s0+$0xA400];
	[tilespmem:s31+$0xA410] =	vst v2;
	v3 =	vmul.f32 $8.000000000e+00, v3  }
0x62: {  	v2 =	vld [tilespmem:s0+$0xA410];
	[tilespmem:s31+$0xA420] =	vst v1  }
0x63: {  	s1 =	sadd.s32 $0x100, s1;
	v1 =	vld [tilespmem:s0+$0xA420];
	[tilespmem:s31+$0xA430] =	vst v3;
	s31 =	smov.u32 s0  }
0x64: {  	v3 =	vld [tilespmem:s31+$0xA430];
	_ =	sdelay $0x1  }
0x65: {  	v0 =	vmul.f32 $8.000000000e+00, v0  }
0x66: {  	v2 =	vmul.f32 $8.000000000e+00, v2  }
0x67: {  	[tilespmem:s31+$0xA400] =	vst v0;
	v0 =	vmul.f32 $8.000000000e+00, v1  }
0x68: {  	s0 =	sadd.s32 s29, s8;
	[tilespmem:s31+$0xA410] =	vst v2;
	v1 =	vmul.f32 $8.000000000e+00, v3  }
0x69: {  	s0 =	sshrl.u32 s0, $0x3;
	[tilespmem:s31+$0xA420] =	vst v0  }
0x6a: {  	s0 =	sadd.s32 s2, s0;
	[tilespmem:s31+$0xA430] =	vst v1  }
0x6b: {  	[hbm4b:s0+s3] =	stream.linear.scatter [tilespmem:s15], [sflag:$0x7], $0x2000, $0x38;
	[tilespmem:$0xE400] =	vst v63  }
0x6c: {  	s0 =	simm.s32 @!p0 $0x6  }
0x6d: {  	_ =	swait.ge @!p0 [sflag:s0], $0x2000  }
0x6e: {  	s1 =	simm.s32 @!p0 $0x80;
	[sflag:s0] =	ssyncset.done @!p0 $0x0  }
0x6f: {  	s29 =	simm.s32 @!p0 $0x8400;
	[sflag:s0] =	ssyncadd.s32 @!p0 $0xFFFFE000;
	s0 =	sadd.s32 @!p0 $0x280, s30  }
0x70: {  	[tilespmem:s29], [sflag:$0x2] =	stream.indirect.gather @!p0 [hbm4b:s5+s1], $0x40, s0, s1, $0xb8;
	[tilespmem:$0xE400] =	vst v63  }
0x71: {  	_ =	swait.ge [sflag:s20], $0x2000  }
0x72: {  	[sflag:s20] =	ssyncset.done $0x0  }
0x73: {  	s29 =	simm.s32 $0x0;
	[sflag:s20] =	ssyncadd.s32 $0xFFFFE000  }
0x74: {  	v0 =	vld [tilespmem:s29+$0xC400]  }
0x75: {  	v2 =	vld [tilespmem:s29+$0xC410]  }
0x76: {  	s1 =	simm.s32 $0x100;
	v1 =	vld [tilespmem:s29+$0xC420]  }
.LBB2_9:
0x77: {  	p1 =	sne.s32 s1, $0x7F00;
	v3 =	vld [tilespmem:s29+$0xC430];
	_ =	sdelay $0x1  }
0x78: {  	v0 =	vmul.f32 $8.000000000e+00, v0  }
.Ltmp5:
0x79: {  	v2 =	vmul.f32 $8.000000000e+00, v2;
	(pc) =	sbr.rel @p1 .LBB2_9-.Ltmp5, $4  }
0x7a: {  	s0 =	sshra.s32 s1, $0x2;
	[tilespmem:s29+$0xC400] =	vst v0;
	v1 =	vmul.f32 $8.000000000e+00, v1  }
0x7b: {  	v0 =	vld [tilespmem:s0+$0xC400];
	[tilespmem:s29+$0xC410] =	vst v2;
	v3 =	vmul.f32 $8.000000000e+00, v3  }
0x7c: {  	v2 =	vld [tilespmem:s0+$0xC410];
	[tilespmem:s29+$0xC420] =	vst v1  }
0x7d: {  	s1 =	sadd.s32 $0x100, s1;
	v1 =	vld [tilespmem:s0+$0xC420];
	[tilespmem:s29+$0xC430] =	vst v3;
	s29 =	smov.u32 s0  }
0x7e: {  	v3 =	vld [tilespmem:s29+$0xC430];
	_ =	sdelay $0x1  }
0x7f: {  	v0 =	vmul.f32 $8.000000000e+00, v0  }
0x80: {  	v2 =	vmul.f32 $8.000000000e+00, v2  }
.Ltmp6:
0x81: {  	s0 =	sshll.u32 s28, $0xD;
	[tilespmem:s29+$0xC400] =	vst v0;
	v62 =	vmul.f32 $8.000000000e+00, v1;
	(pc) =	sbr.rel @p0 .LBB2_12-.Ltmp6, $4  }
0x82: {  	s0 =	sadd.s32 s4, s0;
	[tilespmem:s29+$0xC410] =	vst v2;
	v63 =	vmul.f32 $8.000000000e+00, v3  }
0x83: {  	s0 =	sshrl.u32 s0, $0x3;
	[tilespmem:s29+$0xC420] =	vst v62  }
0x84: {  	s0 =	sadd.s32 s2, s0;
	[tilespmem:s29+$0xC430] =	vst v63  }
0x85: {  	[hbm4b:s0+s3] =	stream.linear.scatter [tilespmem:s17], [sflag:$0x8], $0x2000, $0x38;
	[tilespmem:$0xE400] =	vst v63  }
.Ltmp7:
0x86: {  	(pc) =	sbr.rel .LBB2_2-.Ltmp7, $4  }
0x87: {  	_ =	swait.ge [sflag:s23], $0x2000;
	s0 =	sshll.u32 s26, $0x9  }
0x88: {  	[sflag:s23] =	ssyncset.done $0x0;
	s0 =	sand.u32 $0x3FFFFE00, s0  }
0x89: {  	s26 =	sadd.s32 $0x1, s26;
	[sflag:s23] =	ssyncadd.s32 $0xFFFFE000;
	s0 =	sadd.s32 $0x300, s0  }
0x8a: {  	[tilespmem:s15], [sflag:$0x3] =	stream.indirect.gather [hbm4b:s5+s11], $0x40, s0, s11, $0xb8;
	[tilespmem:$0xE400] =	vst v63  }
.LBB2_13:
0x8b: {  	_ =	sfence.sel $0x180000  }
0x8c: {  	[bflag:$0x0] =	sbarrier.arrive $0xFFFF  }
0x8d: {  	_ =	strace $0x90000047  }
0x8e: {  	s0 =	stileid.u32;
	[bflag:$0x2] =	sbarrier.arrive $0xFFFF  }
0x8f: {  	p0 =	sne.s32 s0, $0x0;
	s0 =	rddreg [dreg:$0x2]  }
0x90: {  	s0 =	sadd.s32 @!p0 $0x100000, s0  }
0x91: {  	[sflag:s0] =	ssyncadd.tile.s32 @!p0 $0x1;
	_ =	shalt  }
.Lfunc_end2:
_tile_overlayer_lowered:
.L_overlay_start_2:
0x92: {  	(tag) =	ssettag $0x2  }
0x93: {  	s0 =	rddreg [dreg:$0x0];
	s2 =	stileid.u32  }
0x94: {  	s1 =	rddreg [dreg:$0x1];
	p0 =	sne.s32 s2, $0x0  }
0x95: {  	s3 =	rddreg [dreg:$0x2];
	[bflag:$0x3] =	sbarrier.arrive $0xFFFF;
	s2 =	simm.s32 @!p0 $0x1C09  }
0x96: {  	[timem:s3], [sflag:s2] =	dma.local @!p0 [hbm:s0], s1  }
0x97: {  	s0 =	simm.s32 @!p0 $0x9  }
0x98: {  	_ =	swait.ge @!p0 [sflag:s0], s1  }
0x99: {  	s1 =	ssub.s32 @!p0 $0x0, s1;
	[sflag:s0] =	ssyncset.done @!p0 $0x0  }
0x9a: {  	[sflag:s0] =	ssyncadd.s32 @!p0 s1  }
0x9b: {  	[bflag:$0x3] =	sbarrier.arrive $0xFFFF  }
0x9c: {  	_ =	shalt  }

// kernel: sparse-core-data-format-call.cloned.1.call-start
scs
called_computation_lowered:
.L_overlay_start_0:
0x0: {  	s2 =	sld [smem:$0x3FD9]  }
0x1: {  	s3 =	sld [smem:$0x3FFE];
	_ =	sdelay $0x1  }
0x2: {  	s1 =	srdreg.scid  }
0x3: {  	s0 =	sand.u32 $0x1, s1  }
0x4: {  	s18 =	sshll.u32 s0, $0xA;
	s2 =	sadd.s32 s3, s2  }
0x5: {  	s2 =	sadd.s32 s2, s18  }
0x6: {  	[smem:$0x3FC6] =	sst s2  }
0x7: {  	_ = 	snop  }
0x8: {  	s2 =	sld [smem:$0x3FD0];
	(tm) =	ssettm $0x1  }
0x9: {  	s19 =	sld [smem:$0x3FFB];
	_ =	sdelay $0x3  }
0xa: {  	_ =	strace s19  }
0xb: {  	s3 =	sld [smem:$0x3FFC];
	_ =	sdelay $0x3  }
0xc: {  	_ =	strace s3  }
0xd: {  	s3 =	sld [smem:$0x3FFD];
	_ =	sdelay $0x3  }
0xe: {  	_ =	strace s3  }
0xf: {  	_ =	strace $0x8FFFFFFF  }
0x10: {  	s20 =	sld [smem:$0x3FDB];
	_ =	sdelay $0x1  }
0x11: {  	s4 =	simm.s32 $_scs_section_size  }
0x12: {  	s5 =	simm.s32 $_size__tile_overlayer_lowered;
	s6 =	simm.s32 $_tile_overlayer_lowered  }
0x13: {  	s23 =	simm.s32 $0x1BFF;
	s22 =	sshll.u32 s6, $0x1;
	s3 =	sadd.s32 s4, s20  }
0x14: {  	s7 =	simm.s32 $0x0;
	s21 =	sshll.u32 s5, $0x1;
	s5 =	sadd.s32 s22, s3  }
0x15: {  	[timem:s7], [sflag:s23] =	dma.local [hbm:s5], s21  }
0x16: {  	_ =	swait.ge [sflag:s23], s21  }
0x17: {  	s4 =	ssub.s32 $0x0, s21;
	[sflag:s23] =	ssyncset.done $0x0  }
0x18: {  	[sflag:s23] =	ssyncadd.s32 s4;
	_ =	sdelay $0x1  }
0x19: {  	s24 =	simm.s32 $0x1B8B  }
0x1a: {  	_ =	swait.ge [sflag:s24], $0x1  }
0x1b: {  	[sflag:s24] =	ssyncset.done $0x0  }
0x1c: {  	s26 =	simm.s32 $0x1B8E;
	s25 =	sld [smem:$0x3FFE];
	[sflag:s24] =	ssyncadd.s32 $0xFFFFFFFF  }
0x1d: {  	s27 =	simm.s32 $execute0_lowered;
	[smem:$0x3FD2] =	sst s26  }
0x1e: {  	s5 =	sshll.u32 s27, $0x1;
	_ =	strace $0x80000049;
	[dreg:$0x1] =	wrdreg $0xFFFFFFFF  }
0x1f: {  	s28 =	simm.s32 $_size_execute0_lowered;
	s3 =	sadd.s32 s3, s5;
	[dreg:$0x0] =	wrdreg $0x0  }
0x20: {  	s5 =	sshll.u32 s28, $0x1;
	[dreg:$0x2] =	wrdreg s3  }
0x21: {  	[dreg:$0x3] =	wrdreg s5  }
0x22: {  	[dreg:$0x4] =	wrdreg $0xC0  }
0x23: {  	_ =	task [dreg:s7], $0x5FFFF  }
0x24: {  	[dreg:$0x1] =	wrdreg $0xFFFFFFFF  }
0x25: {  	[dreg:$0x0] =	wrdreg $0x60  }
0x26: {  	[dreg:$0x2] =	wrdreg s25  }
0x27: {  	[dreg:$0x3] =	wrdreg s2  }
0x28: {  	[dreg:$0x4] =	wrdreg $0x9  }
0x29: {  	_ =	task.clear_ibuf [dreg:s7], $0x5FFFF;
	_ =	strace $0x90000049  }
0x2a: {  	s29 =	simm.s32 $0x9;
	_ =	strace $0x8000004B  }
0x2b: {  	_ =	swait.ge [sflag:s29], $0x1  }
0x2c: {  	[sflag:s29] =	ssyncadd.s32 $0xFFFFFFFF  }
0x2d: {  	_ =	strace $0x9000004B  }
0x2e: {  	_ =	sfence  }
0x2f: {  	s30 =	sld [smem:$0x0];
	_ =	sdelay $0x2  }
0x30: {  	s31 =	sshll.u32 s1, $0xD;
	s1 =	sshrl.u32 s1, $0x2  }
0x31: {  	s3 =	sand.u32 $0x4000, s31;
	s1 =	sadd.s32 s1, s30  }
0x32: {  	s0 =	sor.u32 s3, s0;
	s1 =	sshll.u32 s1, $0x11  }
0x33: {  	s0 =	sor.u32 s1, s0  }
0x34: {  	s0 =	sadd.s32 $0x8F2B, s0  }
0x35: {  	[sflag:s0] =	ssyncadd.remote.s32 $0x1  }
0x36: {  	_ =	sfence.sel $0xFFFF  }
0x37: {  	[dreg:$0x0] =	wrdreg $0xFFFFFFFF;
	(pc) =	sbr.abs _section_cstart, $3  }
0x38: {  	[dreg:$0x1] =	wrdreg $0xFFFFFFFF  }
0x39: {  	_ =	task.clear_ibuf [dreg:s7], $0x2FFFF;
	_ =	strace $0x9FFFFFFF  }
0x3a: {  	(tm) =	ssettm $0x7FFFFFFF  }
0x3b: {  	_ =	shalt  }
tec
execute0_lowered:
.L_overlay_start_1:
0x0: {  	(tag) =	ssettag $0x1  }
0x1: {  	s0 =	srdreg.scid  }
0x2: {  	s1 =	sshll.u32 s0, $0x4  }
0x3: {  	s0 =	stileid.u32;
	s1 =	sand.u32 $0x10, s1  }
0x4: {  	s1 =	sor.u32 s0, s1  }
0x5: {  	s6 =	rddreg [dreg:$0x0];
	s4 =	simm.s32 $0x1;
	s2 =	sshll.u32 s1, $0x7  }
0x6: {  	s7 =	simm.s32 $0x2;
	s12 =	simm.s32 $0x0;
	s1 =	ssub.s32 $0x1000, s2  }
0x7: {  	s8 =	simm.s32 $0x8000;
	s13 =	simm.s32 $0x0;
	s3 =	sand.u32 $0xF80, s1  }
0x8: {  	s9 =	simm.s32 $0x0;
	s5 =	sshrl.u32 s1, $0xC;
	p0 =	sne.s32 s3, $0x0  }
.Ltmp0:
0x9: {  	s1 =	rddreg [dreg:$0x2];
	s4 =	simm.s32 @!p0 $0x0;
	(pc) =	sbr.rel .LBB1_1-.Ltmp0, $4  }
0xa: {  	s11 =	simm.s32 $0x0;
	s3 =	rddreg [dreg:$0x1];
	s5 =	sadd.s32 s4, s5  }
0xb: {  	_ =	strace $0x8000004A;
	s4 =	simm.s32 $0x1;
	s5 =	smul.u32 $0xC8, s5  }
0xc: {  	s6 =	sadd.s32 $0xA00, s6;
	s10 =	smov.u32 s2;
	[sflag:s4] =	ssyncpa.u1 $0x0  }
0xd: {  	p0 =	por $0x0, $0x0;
	[sflag:s7] =	ssyncpa.u1 $0x0;
	s7 =	sor.u32 $0x1, s5  }
.LBB1_4:
0xe: {  	s16 =	sshll.u32 s13, $0x3;
	s17 =	sand.u32 $0x78, s13  }
0xf: {  	s30 =	sand.u32 $0x7E00, s13;
	s12 =	sshll.u32 s12, $0xF;
	s16 =	sand.u32 $0xC00, s16  }
0x10: {  	[tilespmem:s15+$0x810 ss:$0x81] =	vst.msk $0xffff, v2;
	s31 =	sand.u32 $0x7, s13;
	s16 =	sor.u32 s17, s16;
	s17 =	sadd.s32 s3, s30  }
0x11: {  	[tilespmem:s15+$0x1020 ss:$0x81] =	vst.msk $0xffff, v0;
	s13 =	sshll.u32 s31, $0x12;
	s12 =	sadd.s32 s12, s17;
	s16 =	sshrl.u32 s16, $0x3  }
0x12: {  	[tilespmem:s15+$0x0 ss:$0x81] =	vst.msk $0xffff, v1;
	s13 =	sor.u32 $0x400, s13;
	s12 =	sadd.s32 s16, s12  }
0x13: {  	[hbm4b:s12+s13] =	stream.strided.scatter [tilespmem:s14], [sflag:$0x2], $0x2000, s8, s13, $0x20;
	[tilespmem:$0x8080] =	vst v63  }
.LBB1_5:
0x14: {  	s14 =	sadd.s32 $0x1, s9  }
0x15: {  	s12 =	sadd.s32 $0x1000, s10;
	s16 =	smov.u32 s10;
	p2 =	sgt.s32 s14, $0xC7  }
0x16: {  	s16 =	smov.u32 @p2 s12  }
0x17: {  	s14 =	simm.s32 @p2 $0x0;
	p2 =	sgt.s32 s16, $0xFFF  }
0x18: {  	s16 =	smov.u32 @p2 s2;
	p2 =	sne.s32 s11, s7  }
.Ltmp1:
0x19: {  	p1 =	slt.u32 s11, $0x2;
	(pc) =	sbr.rel @!p2 .LBB1_6-.Ltmp1, $4  }
0x1a: {  	s15 =	simm.s32 @!p1 $0x2  }
0x1b: {  	s13 =	smov.u32 s10;
	p0 =	por !p0, !p0;
	_ =	swait.ge @!p1 [sflag:s15], $0x2000  }
0x1c: {  	s12 =	smov.u32 s9;
	[sflag:s15] =	ssyncset.done @!p1 $0x0;
	s9 =	smov.u32 s14  }
0x1d: {  	s11 =	sadd.s32 $0x1, s11;
	[sflag:s15] =	ssyncadd.s32 @!p1 $0xFFFFE000;
	s10 =	smov.u32 s16  }
.LBB1_1:
0x1e: {  	p1 =	sge.u32 s11, s5  }
0x1f: {  	s14 =	sand.u32 @!p1 $0x1FFFFFF, s9  }
0x20: {  	s15 =	smulhi.u32 @!p1 $0x147AE15, s14;
	_ =	sdelay $0x1  }
0x21: {  	s15 =	smul.u32 @!p1 $0xC8, s15  }
0x22: {  	s16 =	sxor.u32 @!p1 $0xFFFFFFFF, s11;
	s17 =	smul.u32 @!p1 $0xC80, s10  }
0x23: {  	s31 =	sadd.s32 $0xFFFFFFFF, s11;
	s16 =	sshll.u32 @!p1 s16, $0xD;
	s14 =	ssub.s32 @!p1 s14, s15  }
0x24: {  	s15 =	sand.u32 @!p1 $0x2000, s16;
	s16 =	sadd.s32 @!p1 s6, s17;
	s14 =	sshll.u32 @!p1 s14, $0x4  }
0x25: {  	s17 =	simm.s32 @!p1 $0x6400;
	s14 =	sadd.s32 @!p1 s14, s16;
	s16 =	simm.s32 @!p1 $0x40  }
0x26: {  	[tilespmem:s15], [sflag:$0x1] =	stream.strided.gather @!p1 [hbm4b:s14+s16], $0x2000, s17, s16, $0x38;
	[tilespmem:$0x8080] =	vst v63  }
0x27: {  	p1 =	sge.u32 s31, s5  }
.Ltmp2:
0x28: {  	_ = 	snop;
	(pc) =	sbr.rel @p1 .LBB1_5-.Ltmp2, $1  }
0x29: {  	_ =	sdelay $0x3  }
0x2a: {  	s14 =	simm.s32 $0x1  }
0x2b: {  	_ =	swait.ge [sflag:s4], $0x2000;
	s14 =	simm.s32 @!p0 $0x0  }
0x2c: {  	[sflag:s4] =	ssyncset.done $0x0;
	s15 =	sshll.u32 s14, $0xD  }
0x2d: {  	[sflag:s4] =	ssyncadd.s32 $0xFFFFE000;
	s18 =	sor.u32 $0x20, s15  }
0x2e: {  	s14 =	smul.u32 $0x8100, s14;
	v3 =	vld [tilespmem:s18+$0x10]  }
0x2f: {  	s30 =	sand.u32 $0x1, s11;
	v2 =	vld [tilespmem:s18+$0xFFFFFFF0]  }
0x30: {  	s15 =	smul.u32 $0x8100, s30;
	s14 =	sshrl.u32 s14, $0x2;
	v0 =	vld [tilespmem:s18+$0x0]  }
0x31: {  	v1 =	vld [tilespmem:s18+$0xFFFFFFE0];
	s16 =	sor.u32 $0x4000, s14  }
0x32: {  	s31 =	sshrl.u32 s15, $0x2;
	s15 =	sadd.s32 $0x0, s16  }
0x33: {  	s17 =	simm.s32 $0x4;
	s18 =	sadd.s32 $0x40, s18;
	s14 =	sor.u32 $0x4000, s31;
	[tilespmem:s15+$0x1830 ss:$0x81] =	vst.msk $0xffff, v3  }
.LBB1_3:
0x34: {  	v3 =	vld [tilespmem:s18+$0x10];
	p1 =	sne.s32 s17, $0x1FC;
	[tilespmem:s15+$0x810 ss:$0x81] =	vst.msk $0xffff, v2;
	s19 =	smov.u32 s17;
	s17 =	sadd.s32 $0x4, s17  }
.Ltmp3:
0x35: {  	v2 =	vld [tilespmem:s18+$0xFFFFFFF0];
	[tilespmem:s15+$0x1020 ss:$0x81] =	vst.msk $0xffff, v0;
	(pc) =	sbr.rel @p1 .LBB1_3-.Ltmp3, $4  }
0x36: {  	v0 =	vld [tilespmem:s18+$0x0];
	[tilespmem:s15+$0x0 ss:$0x81] =	vst.msk $0xffff, v1  }
0x37: {  	s15 =	sshra.s32 s19, $0x2;
	v1 =	vld [tilespmem:s18+$0xFFFFFFE0]  }
0x38: {  	s15 =	sadd.s32 s15, s16  }
0x39: {  	s18 =	sadd.s32 $0x40, s18;
	[tilespmem:s15+$0x1830 ss:$0x81] =	vst.msk $0xffff, v3  }
.Ltmp4:
0x3a: {  	_ = 	snop;
	(pc) =	sbr.rel .LBB1_4-.Ltmp4, $1  }
0x3b: {  	_ =	sdelay $0x3  }
.LBB1_6:
0x3c: {  	_ =	sfence.sel $0x180000  }
0x3d: {  	s2 =	simm.s32 $0x1;
	[bflag:$0x0] =	sbarrier.arrive $0xFFFF  }
0x3e: {  	s31 =	simm.s32 $0x2;
	[sflag:s2] =	ssyncpa.u1 $0x1  }
0x3f: {  	[sflag:s31] =	ssyncpa.u1 $0x1  }
0x40: {  	p0 =	sne.s32 s0, $0x0;
	_ =	strace $0x9000004A  }
0x41: {  	s0 =	sadd.s32 @!p0 $0x100000, s1;
	[bflag:$0x2] =	sbarrier.arrive $0xFFFF  }
0x42: {  	[sflag:s0] =	ssyncadd.tile.s32 @!p0 $0x1;
	_ =	shalt  }
.Lfunc_end1:
_tile_overlayer_lowered:
.L_overlay_start_2:
0x43: {  	(tag) =	ssettag $0x2  }
0x44: {  	s0 =	rddreg [dreg:$0x0];
	s2 =	stileid.u32  }
0x45: {  	s1 =	rddreg [dreg:$0x1];
	p0 =	sne.s32 s2, $0x0  }
0x46: {  	s3 =	rddreg [dreg:$0x2];
	[bflag:$0x3] =	sbarrier.arrive $0xFFFF;
	s2 =	simm.s32 @!p0 $0x1C01  }
0x47: {  	[timem:s3], [sflag:s2] =	dma.local @!p0 [hbm:s0], s1  }
0x48: {  	s0 =	simm.s32 @!p0 $0x1  }
0x49: {  	_ =	swait.ge @!p0 [sflag:s0], s1  }
0x4a: {  	s1 =	ssub.s32 @!p0 $0x0, s1;
	[sflag:s0] =	ssyncset.done @!p0 $0x0  }
0x4b: {  	[sflag:s0] =	ssyncadd.s32 @!p0 s1  }
0x4c: {  	[bflag:$0x3] =	sbarrier.arrive $0xFFFF  }
0x4d: {  	_ =	shalt  }

</sc_bundles>
